<compile_context>
chip_gen: v7x
topology: tpu7x:2x2x1
jax: 0.10.2.dev20260603
libtpu: 0.0.44.dev20260713+nightly
codegen_flags: <defaults>
</compile_context>

<pallas_src>
import functools

import jax
import jax.numpy as jnp
from jax import lax
from jax.experimental import pallas as pl
from jax.experimental.pallas import tpu as pltpu
from jax.experimental.pallas import tpu_sc as plsc

EMBED = 64
BT = 4096 * 50
NC, NS = 2, 16
NW = NC * NS
PER_W = BT // NW
CHUNK = 200
N_CHUNKS = PER_W // CHUNK
NBUF = 4
LOOK = 3
GROUPS = N_CHUNKS // NBUF


def _make_kernel():
    mesh = plsc.VectorSubcoreMesh(core_axis_name="c", subcore_axis_name="s")

    @functools.partial(
        pl.kernel,
        mesh=mesh,
        out_type=(
            jax.ShapeDtypeStruct((BT, EMBED), jnp.float32),
            jax.ShapeDtypeStruct((BT, EMBED), jnp.float32),
        ),
        scratch_types=[
            pltpu.VMEM((PER_W,), jnp.int32),
            pltpu.VMEM((PER_W,), jnp.int32),
            pltpu.VMEM((NBUF, CHUNK, EMBED), jnp.float32),
            pltpu.VMEM((NBUF, CHUNK, EMBED), jnp.float32),
            pltpu.SemaphoreType.DMA((NBUF,)),
            pltpu.SemaphoreType.DMA((NBUF,)),
            pltpu.SemaphoreType.DMA((NBUF,)),
            pltpu.SemaphoreType.DMA((NBUF,)),
        ],
        compiler_params=pltpu.CompilerParams(use_tc_tiling_on_sc=False),
    )
    def k(src_idx, tgt_idx, src_table, tgt_table, src_out, tgt_out,
          idx_s, idx_t, rows_s, rows_t, gsem_s, ssem_s, gsem_t, ssem_t):
        wid = lax.axis_index("s") * NC + lax.axis_index("c")
        base_w = wid * PER_W

        pltpu.sync_copy(src_idx.at[pl.ds(base_w, PER_W)], idx_s)
        pltpu.sync_copy(tgt_idx.at[pl.ds(base_w, PER_W)], idx_t)

        streams = (
            (idx_s, src_table, src_out, rows_s, gsem_s, ssem_s),
            (idx_t, tgt_table, tgt_out, rows_t, gsem_t, ssem_t),
        )

        def fire_gather(st, t, b):
            idx, table, _, rows, gsem, _ = st
            pltpu.make_async_copy(
                table.at[idx.at[pl.ds(t * CHUNK, CHUNK)]],
                rows.at[b], gsem.at[b]).start()

        def wait_gather(st, t, b):
            idx, table, _, rows, gsem, _ = st
            pltpu.make_async_copy(
                table.at[idx.at[pl.ds(t * CHUNK, CHUNK)]],
                rows.at[b], gsem.at[b]).wait()

        def fire_store(st, t, b):
            _, _, out, rows, _, ssem = st
            pltpu.make_async_copy(
                rows.at[b], out.at[pl.ds(base_w + t * CHUNK, CHUNK)],
                ssem.at[b]).start()

        def wait_store(st, t, b):
            _, _, out, rows, _, ssem = st
            pltpu.make_async_copy(
                rows.at[b], out.at[pl.ds(base_w + t * CHUNK, CHUNK)],
                ssem.at[b]).wait()

        for b in range(LOOK):
            for st in streams:
                fire_gather(st, b, b)

        def body(g, carry):
            for j in range(NBUF):
                t = g * NBUF + j
                bn = (j + LOOK) % NBUF
                tn = t + LOOK
                for st in streams:
                    @pl.when(tn < N_CHUNKS)
                    def _():
                        @pl.when(tn >= NBUF)
                        def _():
                            wait_store(st, tn - NBUF, bn)
                        fire_gather(st, tn, bn)
                    wait_gather(st, t, j)
                    fire_store(st, t, j)
            return carry

        lax.fori_loop(0, GROUPS, body, 0)

        for kk in range(NBUF):
            t = N_CHUNKS - NBUF + kk
            for st in streams:
                wait_store(st, t, t % NBUF)

    return k


_lookup = _make_kernel()


def kernel(src, tgt, src_table, tgt_table):
    B, L = src.shape
    E = src_table.shape[1]
    src_flat = src.reshape(-1).astype(jnp.int32)
    tgt_flat = tgt.reshape(-1).astype(jnp.int32)
    src_out, tgt_out = _lookup(src_flat, tgt_flat, src_table, tgt_table)
    return (src_out.reshape(B, L, E), tgt_out.reshape(B, L, E))

# --- scband reference (transcript-rebuilt; emitter-appended) ---
"""Pipeline reference for scband-model-embeddings-82368882803211 (READ-ONLY COPY).

The authoritative reference and input builder live on the scoring server;
editing this copy changes nothing except your own understanding.
"""

import jax, jax.numpy as jnp
import numpy as np

SRC_VOCAB = 100000
TGT_VOCAB = 100000
EMBED = 64
B = 4096
L = 50
SRC_PAD = 0
TGT_PAD = 0


def setup_inputs(seed: int = 0) -> dict:
    key = jax.random.key(seed)
    k1, k2, k3, k4 = jax.random.split(key, 4)
    src = jax.random.randint(k1, (B, L), 0, SRC_VOCAB)
    tgt = jax.random.randint(k2, (B, L), 0, TGT_VOCAB)
    src_table = jax.random.normal(k3, (SRC_VOCAB, EMBED), dtype=jnp.float32)
    tgt_table = jax.random.normal(k4, (TGT_VOCAB, EMBED), dtype=jnp.float32)
    # padding_idx rows are zero, mirroring nn.Embedding(padding_idx=...)
    src_table = src_table.at[SRC_PAD].set(0.0)
    tgt_table = tgt_table.at[TGT_PAD].set(0.0)
    return {"src": src, "tgt": tgt, "src_table": src_table, "tgt_table": tgt_table}


def reference(src, tgt, src_table, tgt_table):
    # ModelEmbeddings holds two embedding tables; usage is self.source(src) / self.target(tgt)
    src_emb = jnp.take(src_table, src, axis=0)
    tgt_emb = jnp.take(tgt_table, tgt, axis=0)
    return (src_emb, tgt_emb)

if __name__ == "__main__":
    import jax
    _d = setup_inputs()
    print(jax.jit(kernel)(*tuple(_d.values())))

</pallas_src>

<mosaic_0001>
#map = affine_map<(d0, d1) -> (0)>
#map1 = affine_map<(d0, d1) -> (0, 0)>
module attributes {stable_mosaic.version = 14 : i64} {
  func.func @k(%arg0: i32, %arg1: i32, %arg2: memref<204800xi32, #tpu.memory_space<hbm>>, %arg3: memref<204800xi32, #tpu.memory_space<hbm>>, %arg4: memref<100000x64xf32, #tpu.memory_space<hbm>>, %arg5: memref<100000x64xf32, #tpu.memory_space<hbm>>, %arg6: memref<204800x64xf32, #tpu.memory_space<hbm>>, %arg7: memref<204800x64xf32, #tpu.memory_space<hbm>>, %arg8: memref<6400xi32, #tpu.memory_space<vmem>>, %arg9: memref<6400xi32, #tpu.memory_space<vmem>>, %arg10: memref<4x200x64xf32, #tpu.memory_space<vmem>>, %arg11: memref<4x200x64xf32, #tpu.memory_space<vmem>>, %arg12: memref<4x!tpu.dma_semaphore, #tpu.memory_space<semaphore_mem>>, %arg13: memref<4x!tpu.dma_semaphore, #tpu.memory_space<semaphore_mem>>, %arg14: memref<4x!tpu.dma_semaphore, #tpu.memory_space<semaphore_mem>>, %arg15: memref<4x!tpu.dma_semaphore, #tpu.memory_space<semaphore_mem>>) attributes {dimension_semantics = [#tpu.dimension_semantics<core_parallel>, #tpu.dimension_semantics<subcore_parallel>], iteration_bounds = array<i64: 2, 16>, scalar_prefetch = 0 : i64, scratch_operands = 8 : i64, tpu.core_type = #tpu.core_type<sc_vector_subcore>, window_params = [{transform_indices = #map}, {transform_indices = #map}, {transform_indices = #map1}, {transform_indices = #map1}, {transform_indices = #map1}, {transform_indices = #map1}]} {
    %mul3A = arith.constant 2 : i32
    %mul3A_0 = arith.muli %arg1, %mul3A : i32
    %add3A = arith.addi %mul3A_0, %arg0 : i32
    %mul3A_1 = arith.constant 6400 : i32
    %mul3A_2 = arith.muli %add3A, %mul3A_1 : i32
    "tpu.region"() ({
      %run_scoped3A = tpu.sem_alloc : memref<!tpu.dma_semaphore, #tpu.memory_space<semaphore_mem>>
      %dma_start3A_228 = tpu.memref_slice %arg2[%mul3A_2] : memref<204800xi32, #tpu.memory_space<hbm>> -> memref<6400xi32, #tpu.memory_space<hbm>>
      %dma_start3A_229 = tpu.memref_slice %arg2[%mul3A_2] : memref<204800xi32, #tpu.memory_space<hbm>> -> memref<6400xi32, #tpu.memory_space<hbm>>
      tpu.enqueue_dma source(%dma_start3A_229 : memref<6400xi32, #tpu.memory_space<hbm>>) target(%arg8 : memref<6400xi32, #tpu.memory_space<vmem>>) target_semaphore(%run_scoped3A : memref<!tpu.dma_semaphore, #tpu.memory_space<semaphore_mem>>)
      %dma_wait3A_230 = tpu.memref_slice %arg2[%mul3A_2] : memref<204800xi32, #tpu.memory_space<hbm>> -> memref<6400xi32, #tpu.memory_space<hbm>>
      %dma_wait3A_231 = tpu.memref_slice %arg2[%mul3A_2] : memref<204800xi32, #tpu.memory_space<hbm>> -> memref<6400xi32, #tpu.memory_space<hbm>>
      tpu.wait_dma2 semaphore(%run_scoped3A : memref<!tpu.dma_semaphore, #tpu.memory_space<semaphore_mem>>) src(%dma_wait3A_231 : memref<6400xi32, #tpu.memory_space<hbm>>) dst(%arg8 : memref<6400xi32, #tpu.memory_space<vmem>>)
      tpu.yield
    }) : () -> ()
    "tpu.region"() ({
      %run_scoped3A = tpu.sem_alloc : memref<!tpu.dma_semaphore, #tpu.memory_space<semaphore_mem>>
      %dma_start3A_228 = tpu.memref_slice %arg3[%mul3A_2] : memref<204800xi32, #tpu.memory_space<hbm>> -> memref<6400xi32, #tpu.memory_space<hbm>>
      %dma_start3A_229 = tpu.memref_slice %arg3[%mul3A_2] : memref<204800xi32, #tpu.memory_space<hbm>> -> memref<6400xi32, #tpu.memory_space<hbm>>
      tpu.enqueue_dma source(%dma_start3A_229 : memref<6400xi32, #tpu.memory_space<hbm>>) target(%arg9 : memref<6400xi32, #tpu.memory_space<vmem>>) target_semaphore(%run_scoped3A : memref<!tpu.dma_semaphore, #tpu.memory_space<semaphore_mem>>)
      %dma_wait3A_230 = tpu.memref_slice %arg3[%mul3A_2] : memref<204800xi32, #tpu.memory_space<hbm>> -> memref<6400xi32, #tpu.memory_space<hbm>>
      %dma_wait3A_231 = tpu.memref_slice %arg3[%mul3A_2] : memref<204800xi32, #tpu.memory_space<hbm>> -> memref<6400xi32, #tpu.memory_space<hbm>>
      tpu.wait_dma2 semaphore(%run_scoped3A : memref<!tpu.dma_semaphore, #tpu.memory_space<semaphore_mem>>) src(%dma_wait3A_231 : memref<6400xi32, #tpu.memory_space<hbm>>) dst(%arg9 : memref<6400xi32, #tpu.memory_space<vmem>>)
      tpu.yield
    }) : () -> ()
    %dma_start3A = arith.constant 0 : i32
    %dma_start3A_3 = arith.constant 0 : i32
    %dma_start3A_4 = arith.constant 0 : i32
    %dma_start3A_5 = arith.constant 0 : i32
    %dma_start3A_6 = tpu.memref_slice %arg10[%dma_start3A, %dma_start3A_4, %dma_start3A_5] : memref<4x200x64xf32, #tpu.memory_space<vmem>> -> memref<1x200x64xf32, #tpu.memory_space<vmem>>
    %dma_start3A_7 = tpu.memref_squeeze %dma_start3A_6 : memref<1x200x64xf32, #tpu.memory_space<vmem>> -> memref<200x64xf32, #tpu.memory_space<vmem>>
    %dma_start3A_8 = arith.constant 0 : i32
    %dma_start3A_9 = tpu.memref_slice %arg8[%dma_start3A_8] : memref<6400xi32, #tpu.memory_space<vmem>> -> memref<200xi32, #tpu.memory_space<vmem>>
    %dma_start3A_10 = arith.constant 0 : i32
    %dma_start3A_11 = arith.constant 0 : i32
    %dma_start3A_12 = tpu.memref_slice %arg4[%dma_start3A_10, %dma_start3A_11] : memref<100000x64xf32, #tpu.memory_space<hbm>> -> memref<100000x64xf32, #tpu.memory_space<hbm>>
    %dma_start3A_13 = tpu.memref_slice %arg12[%dma_start3A_3] : memref<4x!tpu.dma_semaphore, #tpu.memory_space<semaphore_mem>> -> memref<1x!tpu.dma_semaphore, #tpu.memory_space<semaphore_mem>>
    %dma_start3A_14 = tpu.memref_squeeze %dma_start3A_13 : memref<1x!tpu.dma_semaphore, #tpu.memory_space<semaphore_mem>> -> memref<!tpu.dma_semaphore, #tpu.memory_space<semaphore_mem>>
    tpu.enqueue_indirect_dma source(%dma_start3A_12 : memref<100000x64xf32, #tpu.memory_space<hbm>>) target(%dma_start3A_7 : memref<200x64xf32, #tpu.memory_space<vmem>>) offsets(%dma_start3A_9 : memref<200xi32, #tpu.memory_space<vmem>>) semaphore(%dma_start3A_14 : memref<!tpu.dma_semaphore, #tpu.memory_space<semaphore_mem>>)
    %dma_start3A_15 = arith.constant 0 : i32
    %dma_start3A_16 = arith.constant 0 : i32
    %dma_start3A_17 = arith.constant 0 : i32
    %dma_start3A_18 = arith.constant 0 : i32
    %dma_start3A_19 = tpu.memref_slice %arg11[%dma_start3A_15, %dma_start3A_17, %dma_start3A_18] : memref<4x200x64xf32, #tpu.memory_space<vmem>> -> memref<1x200x64xf32, #tpu.memory_space<vmem>>
    %dma_start3A_20 = tpu.memref_squeeze %dma_start3A_19 : memref<1x200x64xf32, #tpu.memory_space<vmem>> -> memref<200x64xf32, #tpu.memory_space<vmem>>
    %dma_start3A_21 = arith.constant 0 : i32
    %dma_start3A_22 = tpu.memref_slice %arg9[%dma_start3A_21] : memref<6400xi32, #tpu.memory_space<vmem>> -> memref<200xi32, #tpu.memory_space<vmem>>
    %dma_start3A_23 = arith.constant 0 : i32
    %dma_start3A_24 = arith.constant 0 : i32
    %dma_start3A_25 = tpu.memref_slice %arg5[%dma_start3A_23, %dma_start3A_24] : memref<100000x64xf32, #tpu.memory_space<hbm>> -> memref<100000x64xf32, #tpu.memory_space<hbm>>
    %dma_start3A_26 = tpu.memref_slice %arg14[%dma_start3A_16] : memref<4x!tpu.dma_semaphore, #tpu.memory_space<semaphore_mem>> -> memref<1x!tpu.dma_semaphore, #tpu.memory_space<semaphore_mem>>
    %dma_start3A_27 = tpu.memref_squeeze %dma_start3A_26 : memref<1x!tpu.dma_semaphore, #tpu.memory_space<semaphore_mem>> -> memref<!tpu.dma_semaphore, #tpu.memory_space<semaphore_mem>>
    tpu.enqueue_indirect_dma source(%dma_start3A_25 : memref<100000x64xf32, #tpu.memory_space<hbm>>) target(%dma_start3A_20 : memref<200x64xf32, #tpu.memory_space<vmem>>) offsets(%dma_start3A_22 : memref<200xi32, #tpu.memory_space<vmem>>) semaphore(%dma_start3A_27 : memref<!tpu.dma_semaphore, #tpu.memory_space<semaphore_mem>>)
    %dma_start3A_28 = arith.constant 1 : i32
    %dma_start3A_29 = arith.constant 1 : i32
    %dma_start3A_30 = arith.constant 0 : i32
    %dma_start3A_31 = arith.constant 0 : i32
    %dma_start3A_32 = tpu.memref_slice %arg10[%dma_start3A_28, %dma_start3A_30, %dma_start3A_31] : memref<4x200x64xf32, #tpu.memory_space<vmem>> -> memref<1x200x64xf32, #tpu.memory_space<vmem>>
    %dma_start3A_33 = tpu.memref_squeeze %dma_start3A_32 : memref<1x200x64xf32, #tpu.memory_space<vmem>> -> memref<200x64xf32, #tpu.memory_space<vmem>>
    %dma_start3A_34 = arith.constant 200 : i32
    %dma_start3A_35 = tpu.memref_slice %arg8[%dma_start3A_34] : memref<6400xi32, #tpu.memory_space<vmem>> -> memref<200xi32, #tpu.memory_space<vmem>>
    %dma_start3A_36 = arith.constant 0 : i32
    %dma_start3A_37 = arith.constant 0 : i32
    %dma_start3A_38 = tpu.memref_slice %arg4[%dma_start3A_36, %dma_start3A_37] : memref<100000x64xf32, #tpu.memory_space<hbm>> -> memref<100000x64xf32, #tpu.memory_space<hbm>>
    %dma_start3A_39 = tpu.memref_slice %arg12[%dma_start3A_29] : memref<4x!tpu.dma_semaphore, #tpu.memory_space<semaphore_mem>> -> memref<1x!tpu.dma_semaphore, #tpu.memory_space<semaphore_mem>>
    %dma_start3A_40 = tpu.memref_squeeze %dma_start3A_39 : memref<1x!tpu.dma_semaphore, #tpu.memory_space<semaphore_mem>> -> memref<!tpu.dma_semaphore, #tpu.memory_space<semaphore_mem>>
    tpu.enqueue_indirect_dma source(%dma_start3A_38 : memref<100000x64xf32, #tpu.memory_space<hbm>>) target(%dma_start3A_33 : memref<200x64xf32, #tpu.memory_space<vmem>>) offsets(%dma_start3A_35 : memref<200xi32, #tpu.memory_space<vmem>>) semaphore(%dma_start3A_40 : memref<!tpu.dma_semaphore, #tpu.memory_space<semaphore_mem>>)
    %dma_start3A_41 = arith.constant 1 : i32
    %dma_start3A_42 = arith.constant 1 : i32
    %dma_start3A_43 = arith.constant 0 : i32
    %dma_start3A_44 = arith.constant 0 : i32
    %dma_start3A_45 = tpu.memref_slice %arg11[%dma_start3A_41, %dma_start3A_43, %dma_start3A_44] : memref<4x200x64xf32, #tpu.memory_space<vmem>> -> memref<1x200x64xf32, #tpu.memory_space<vmem>>
    %dma_start3A_46 = tpu.memref_squeeze %dma_start3A_45 : memref<1x200x64xf32, #tpu.memory_space<vmem>> -> memref<200x64xf32, #tpu.memory_space<vmem>>
    %dma_start3A_47 = arith.constant 200 : i32
    %dma_start3A_48 = tpu.memref_slice %arg9[%dma_start3A_47] : memref<6400xi32, #tpu.memory_space<vmem>> -> memref<200xi32, #tpu.memory_space<vmem>>
    %dma_start3A_49 = arith.constant 0 : i32
    %dma_start3A_50 = arith.constant 0 : i32
    %dma_start3A_51 = tpu.memref_slice %arg5[%dma_start3A_49, %dma_start3A_50] : memref<100000x64xf32, #tpu.memory_space<hbm>> -> memref<100000x64xf32, #tpu.memory_space<hbm>>
    %dma_start3A_52 = tpu.memref_slice %arg14[%dma_start3A_42] : memref<4x!tpu.dma_semaphore, #tpu.memory_space<semaphore_mem>> -> memref<1x!tpu.dma_semaphore, #tpu.memory_space<semaphore_mem>>
    %dma_start3A_53 = tpu.memref_squeeze %dma_start3A_52 : memref<1x!tpu.dma_semaphore, #tpu.memory_space<semaphore_mem>> -> memref<!tpu.dma_semaphore, #tpu.memory_space<semaphore_mem>>
    tpu.enqueue_indirect_dma source(%dma_start3A_51 : memref<100000x64xf32, #tpu.memory_space<hbm>>) target(%dma_start3A_46 : memref<200x64xf32, #tpu.memory_space<vmem>>) offsets(%dma_start3A_48 : memref<200xi32, #tpu.memory_space<vmem>>) semaphore(%dma_start3A_53 : memref<!tpu.dma_semaphore, #tpu.memory_space<semaphore_mem>>)
    %dma_start3A_54 = arith.constant 2 : i32
    %dma_start3A_55 = arith.constant 2 : i32
    %dma_start3A_56 = arith.constant 0 : i32
    %dma_start3A_57 = arith.constant 0 : i32
    %dma_start3A_58 = tpu.memref_slice %arg10[%dma_start3A_54, %dma_start3A_56, %dma_start3A_57] : memref<4x200x64xf32, #tpu.memory_space<vmem>> -> memref<1x200x64xf32, #tpu.memory_space<vmem>>
    %dma_start3A_59 = tpu.memref_squeeze %dma_start3A_58 : memref<1x200x64xf32, #tpu.memory_space<vmem>> -> memref<200x64xf32, #tpu.memory_space<vmem>>
    %dma_start3A_60 = arith.constant 400 : i32
    %dma_start3A_61 = tpu.memref_slice %arg8[%dma_start3A_60] : memref<6400xi32, #tpu.memory_space<vmem>> -> memref<200xi32, #tpu.memory_space<vmem>>
    %dma_start3A_62 = arith.constant 0 : i32
    %dma_start3A_63 = arith.constant 0 : i32
    %dma_start3A_64 = tpu.memref_slice %arg4[%dma_start3A_62, %dma_start3A_63] : memref<100000x64xf32, #tpu.memory_space<hbm>> -> memref<100000x64xf32, #tpu.memory_space<hbm>>
    %dma_start3A_65 = tpu.memref_slice %arg12[%dma_start3A_55] : memref<4x!tpu.dma_semaphore, #tpu.memory_space<semaphore_mem>> -> memref<1x!tpu.dma_semaphore, #tpu.memory_space<semaphore_mem>>
    %dma_start3A_66 = tpu.memref_squeeze %dma_start3A_65 : memref<1x!tpu.dma_semaphore, #tpu.memory_space<semaphore_mem>> -> memref<!tpu.dma_semaphore, #tpu.memory_space<semaphore_mem>>
    tpu.enqueue_indirect_dma source(%dma_start3A_64 : memref<100000x64xf32, #tpu.memory_space<hbm>>) target(%dma_start3A_59 : memref<200x64xf32, #tpu.memory_space<vmem>>) offsets(%dma_start3A_61 : memref<200xi32, #tpu.memory_space<vmem>>) semaphore(%dma_start3A_66 : memref<!tpu.dma_semaphore, #tpu.memory_space<semaphore_mem>>)
    %dma_start3A_67 = arith.constant 2 : i32
    %dma_start3A_68 = arith.constant 2 : i32
    %dma_start3A_69 = arith.constant 0 : i32
    %dma_start3A_70 = arith.constant 0 : i32
    %dma_start3A_71 = tpu.memref_slice %arg11[%dma_start3A_67, %dma_start3A_69, %dma_start3A_70] : memref<4x200x64xf32, #tpu.memory_space<vmem>> -> memref<1x200x64xf32, #tpu.memory_space<vmem>>
    %dma_start3A_72 = tpu.memref_squeeze %dma_start3A_71 : memref<1x200x64xf32, #tpu.memory_space<vmem>> -> memref<200x64xf32, #tpu.memory_space<vmem>>
    %dma_start3A_73 = arith.constant 400 : i32
    %dma_start3A_74 = tpu.memref_slice %arg9[%dma_start3A_73] : memref<6400xi32, #tpu.memory_space<vmem>> -> memref<200xi32, #tpu.memory_space<vmem>>
    %dma_start3A_75 = arith.constant 0 : i32
    %dma_start3A_76 = arith.constant 0 : i32
    %dma_start3A_77 = tpu.memref_slice %arg5[%dma_start3A_75, %dma_start3A_76] : memref<100000x64xf32, #tpu.memory_space<hbm>> -> memref<100000x64xf32, #tpu.memory_space<hbm>>
    %dma_start3A_78 = tpu.memref_slice %arg14[%dma_start3A_68] : memref<4x!tpu.dma_semaphore, #tpu.memory_space<semaphore_mem>> -> memref<1x!tpu.dma_semaphore, #tpu.memory_space<semaphore_mem>>
    %dma_start3A_79 = tpu.memref_squeeze %dma_start3A_78 : memref<1x!tpu.dma_semaphore, #tpu.memory_space<semaphore_mem>> -> memref<!tpu.dma_semaphore, #tpu.memory_space<semaphore_mem>>
    tpu.enqueue_indirect_dma source(%dma_start3A_77 : memref<100000x64xf32, #tpu.memory_space<hbm>>) target(%dma_start3A_72 : memref<200x64xf32, #tpu.memory_space<vmem>>) offsets(%dma_start3A_74 : memref<200xi32, #tpu.memory_space<vmem>>) semaphore(%dma_start3A_79 : memref<!tpu.dma_semaphore, #tpu.memory_space<semaphore_mem>>)
    %scan3A = arith.constant 0 : i32
    %scan3A_80 = arith.constant 0 : i32
    %scan3A_81 = arith.constant 8 : i32
    %scan3A_82 = arith.addi %scan3A_80, %scan3A_81 : i32
    %scan3A_83 = arith.constant 1 : i32
    scf.for %scan3A_228 = %scan3A_80 to %scan3A_82 step %scan3A_83  : i32 {
      %mul3A_229 = arith.constant 4 : i32
      %mul3A_230 = arith.muli %scan3A_228, %mul3A_229 : i32
      %add3A_231 = arith.constant 0 : i32
      %add3A_232 = arith.addi %mul3A_230, %add3A_231 : i32
      %add3A_233 = arith.constant 3 : i32
      %add3A_234 = arith.addi %add3A_232, %add3A_233 : i32
      %lt3A = arith.constant 32 : i32
      %lt3A_235 = arith.cmpi slt, %add3A_234, %lt3A : i32
      %convert_element_type3A = arith.extui %lt3A_235 : i1 to i32
      %cond3A = arith.constant 0 : i32
      %cond3A_236 = arith.cmpi ne, %convert_element_type3A, %cond3A : i32
      scf.if %cond3A_236 {
        %ge3A = arith.constant 4 : i32
        %ge3A_554 = arith.cmpi sge, %add3A_234, %ge3A : i32
        %convert_element_type3A_555 = arith.extui %ge3A_554 : i1 to i32
        %cond3A_556 = arith.constant 0 : i32
        %cond3A_557 = arith.cmpi ne, %convert_element_type3A_555, %cond3A_556 : i32
        scf.if %cond3A_557 {
          %sub3A = arith.constant 4 : i32
          %sub3A_572 = arith.subi %add3A_234, %sub3A : i32
          %mul3A_573 = arith.constant 200 : i32
          %mul3A_574 = arith.muli %sub3A_572, %mul3A_573 : i32
          %add3A_575 = arith.addi %mul3A_2, %mul3A_574 : i32
          %dma_wait3A_576 = arith.constant 3 : i32
          %dma_wait3A_577 = arith.constant 3 : i32
          %dma_wait3A_578 = arith.constant 0 : i32
          %dma_wait3A_579 = arith.constant 0 : i32
          %dma_wait3A_580 = tpu.memref_slice %arg10[%dma_wait3A_576, %dma_wait3A_578, %dma_wait3A_579] : memref<4x200x64xf32, #tpu.memory_space<vmem>> -> memref<1x200x64xf32, #tpu.memory_space<vmem>>
          %dma_wait3A_581 = tpu.memref_squeeze %dma_wait3A_580 : memref<1x200x64xf32, #tpu.memory_space<vmem>> -> memref<200x64xf32, #tpu.memory_space<vmem>>
          %dma_wait3A_582 = arith.constant 0 : i32
          %dma_wait3A_583 = tpu.memref_slice %arg6[%add3A_575, %dma_wait3A_582] : memref<204800x64xf32, #tpu.memory_space<hbm>> -> memref<200x64xf32, #tpu.memory_space<hbm>>
          %dma_wait3A_584 = tpu.memref_slice %arg13[%dma_wait3A_577] : memref<4x!tpu.dma_semaphore, #tpu.memory_space<semaphore_mem>> -> memref<1x!tpu.dma_semaphore, #tpu.memory_space<semaphore_mem>>
          %dma_wait3A_585 = tpu.memref_squeeze %dma_wait3A_584 : memref<1x!tpu.dma_semaphore, #tpu.memory_space<semaphore_mem>> -> memref<!tpu.dma_semaphore, #tpu.memory_space<semaphore_mem>>
          %dma_wait3A_586 = arith.constant 0 : i32
          %dma_wait3A_587 = tpu.memref_slice %arg6[%add3A_575, %dma_wait3A_586] : memref<204800x64xf32, #tpu.memory_space<hbm>> -> memref<200x64xf32, #tpu.memory_space<hbm>>
          %dma_wait3A_588 = arith.constant 0 : i32
          %dma_wait3A_589 = arith.constant 0 : i32
          %dma_wait3A_590 = tpu.memref_slice %arg10[%dma_wait3A_576, %dma_wait3A_588, %dma_wait3A_589] : memref<4x200x64xf32, #tpu.memory_space<vmem>> -> memref<1x200x64xf32, #tpu.memory_space<vmem>>
          %dma_wait3A_591 = tpu.memref_squeeze %dma_wait3A_590 : memref<1x200x64xf32, #tpu.memory_space<vmem>> -> memref<200x64xf32, #tpu.memory_space<vmem>>
          tpu.wait_dma2 semaphore(%dma_wait3A_585 : memref<!tpu.dma_semaphore, #tpu.memory_space<semaphore_mem>>) src(%dma_wait3A_591 : memref<200x64xf32, #tpu.memory_space<vmem>>) dst(%dma_wait3A_587 : memref<200x64xf32, #tpu.memory_space<hbm>>)
        } else {
        }
        %mul3A_558 = arith.constant 200 : i32
        %mul3A_559 = arith.muli %add3A_234, %mul3A_558 : i32
        %dma_start3A_560 = arith.constant 3 : i32
        %dma_start3A_561 = arith.constant 3 : i32
        %dma_start3A_562 = arith.constant 0 : i32
        %dma_start3A_563 = arith.constant 0 : i32
        %dma_start3A_564 = tpu.memref_slice %arg10[%dma_start3A_560, %dma_start3A_562, %dma_start3A_563] : memref<4x200x64xf32, #tpu.memory_space<vmem>> -> memref<1x200x64xf32, #tpu.memory_space<vmem>>
        %dma_start3A_565 = tpu.memref_squeeze %dma_start3A_564 : memref<1x200x64xf32, #tpu.memory_space<vmem>> -> memref<200x64xf32, #tpu.memory_space<vmem>>
        %dma_start3A_566 = tpu.memref_slice %arg8[%mul3A_559] : memref<6400xi32, #tpu.memory_space<vmem>> -> memref<200xi32, #tpu.memory_space<vmem>>
        %dma_start3A_567 = arith.constant 0 : i32
        %dma_start3A_568 = arith.constant 0 : i32
        %dma_start3A_569 = tpu.memref_slice %arg4[%dma_start3A_567, %dma_start3A_568] : memref<100000x64xf32, #tpu.memory_space<hbm>> -> memref<100000x64xf32, #tpu.memory_space<hbm>>
        %dma_start3A_570 = tpu.memref_slice %arg12[%dma_start3A_561] : memref<4x!tpu.dma_semaphore, #tpu.memory_space<semaphore_mem>> -> memref<1x!tpu.dma_semaphore, #tpu.memory_space<semaphore_mem>>
        %dma_start3A_571 = tpu.memref_squeeze %dma_start3A_570 : memref<1x!tpu.dma_semaphore, #tpu.memory_space<semaphore_mem>> -> memref<!tpu.dma_semaphore, #tpu.memory_space<semaphore_mem>>
        tpu.enqueue_indirect_dma source(%dma_start3A_569 : memref<100000x64xf32, #tpu.memory_space<hbm>>) target(%dma_start3A_565 : memref<200x64xf32, #tpu.memory_space<vmem>>) offsets(%dma_start3A_566 : memref<200xi32, #tpu.memory_space<vmem>>) semaphore(%dma_start3A_571 : memref<!tpu.dma_semaphore, #tpu.memory_space<semaphore_mem>>)
      } else {
      }
      %mul3A_237 = arith.constant 200 : i32
      %mul3A_238 = arith.muli %add3A_232, %mul3A_237 : i32
      %dma_wait3A_239 = arith.constant 0 : i32
      %dma_wait3A_240 = arith.constant 0 : i32
      %dma_wait3A_241 = arith.constant 0 : i32
      %dma_wait3A_242 = arith.constant 0 : i32
      %dma_wait3A_243 = tpu.memref_slice %arg10[%dma_wait3A_239, %dma_wait3A_241, %dma_wait3A_242] : memref<4x200x64xf32, #tpu.memory_space<vmem>> -> memref<1x200x64xf32, #tpu.memory_space<vmem>>
      %dma_wait3A_244 = tpu.memref_squeeze %dma_wait3A_243 : memref<1x200x64xf32, #tpu.memory_space<vmem>> -> memref<200x64xf32, #tpu.memory_space<vmem>>
      %dma_wait3A_245 = tpu.memref_slice %arg8[%mul3A_238] : memref<6400xi32, #tpu.memory_space<vmem>> -> memref<200xi32, #tpu.memory_space<vmem>>
      %dma_wait3A_246 = arith.constant 0 : i32
      %dma_wait3A_247 = arith.constant 0 : i32
      %dma_wait3A_248 = tpu.memref_slice %arg4[%dma_wait3A_246, %dma_wait3A_247] : memref<100000x64xf32, #tpu.memory_space<hbm>> -> memref<100000x64xf32, #tpu.memory_space<hbm>>
      %dma_wait3A_249 = tpu.memref_slice %arg12[%dma_wait3A_240] : memref<4x!tpu.dma_semaphore, #tpu.memory_space<semaphore_mem>> -> memref<1x!tpu.dma_semaphore, #tpu.memory_space<semaphore_mem>>
      %dma_wait3A_250 = tpu.memref_squeeze %dma_wait3A_249 : memref<1x!tpu.dma_semaphore, #tpu.memory_space<semaphore_mem>> -> memref<!tpu.dma_semaphore, #tpu.memory_space<semaphore_mem>>
      tpu.wait_indirect_dma semaphore(%dma_wait3A_250 : memref<!tpu.dma_semaphore, #tpu.memory_space<semaphore_mem>>) src(%dma_wait3A_248 : memref<100000x64xf32, #tpu.memory_space<hbm>>) dst(%dma_wait3A_244 : memref<200x64xf32, #tpu.memory_space<vmem>>)
      %mul3A_251 = arith.constant 200 : i32
      %mul3A_252 = arith.muli %add3A_232, %mul3A_251 : i32
      %add3A_253 = arith.addi %mul3A_2, %mul3A_252 : i32
      %dma_start3A_254 = arith.constant 0 : i32
      %dma_start3A_255 = arith.constant 0 : i32
      %dma_start3A_256 = arith.constant 0 : i32
      %dma_start3A_257 = arith.constant 0 : i32
      %dma_start3A_258 = tpu.memref_slice %arg10[%dma_start3A_254, %dma_start3A_256, %dma_start3A_257] : memref<4x200x64xf32, #tpu.memory_space<vmem>> -> memref<1x200x64xf32, #tpu.memory_space<vmem>>
      %dma_start3A_259 = tpu.memref_squeeze %dma_start3A_258 : memref<1x200x64xf32, #tpu.memory_space<vmem>> -> memref<200x64xf32, #tpu.memory_space<vmem>>
      %dma_start3A_260 = arith.constant 0 : i32
      %dma_start3A_261 = tpu.memref_slice %arg6[%add3A_253, %dma_start3A_260] : memref<204800x64xf32, #tpu.memory_space<hbm>> -> memref<200x64xf32, #tpu.memory_space<hbm>>
      %dma_start3A_262 = tpu.memref_slice %arg13[%dma_start3A_255] : memref<4x!tpu.dma_semaphore, #tpu.memory_space<semaphore_mem>> -> memref<1x!tpu.dma_semaphore, #tpu.memory_space<semaphore_mem>>
      %dma_start3A_263 = tpu.memref_squeeze %dma_start3A_262 : memref<1x!tpu.dma_semaphore, #tpu.memory_space<semaphore_mem>> -> memref<!tpu.dma_semaphore, #tpu.memory_space<semaphore_mem>>
      %dma_start3A_264 = arith.constant 0 : i32
      %dma_start3A_265 = tpu.memref_slice %arg6[%add3A_253, %dma_start3A_264] : memref<204800x64xf32, #tpu.memory_space<hbm>> -> memref<200x64xf32, #tpu.memory_space<hbm>>
      %dma_start3A_266 = arith.constant 0 : i32
      %dma_start3A_267 = arith.constant 0 : i32
      %dma_start3A_268 = tpu.memref_slice %arg10[%dma_start3A_254, %dma_start3A_266, %dma_start3A_267] : memref<4x200x64xf32, #tpu.memory_space<vmem>> -> memref<1x200x64xf32, #tpu.memory_space<vmem>>
      %dma_start3A_269 = tpu.memref_squeeze %dma_start3A_268 : memref<1x200x64xf32, #tpu.memory_space<vmem>> -> memref<200x64xf32, #tpu.memory_space<vmem>>
      tpu.enqueue_dma source(%dma_start3A_269 : memref<200x64xf32, #tpu.memory_space<vmem>>) target(%dma_start3A_265 : memref<200x64xf32, #tpu.memory_space<hbm>>) target_semaphore(%dma_start3A_263 : memref<!tpu.dma_semaphore, #tpu.memory_space<semaphore_mem>>)
      %lt3A_270 = arith.constant 32 : i32
      %lt3A_271 = arith.cmpi slt, %add3A_234, %lt3A_270 : i32
      %convert_element_type3A_272 = arith.extui %lt3A_271 : i1 to i32
      %cond3A_273 = arith.constant 0 : i32
      %cond3A_274 = arith.cmpi ne, %convert_element_type3A_272, %cond3A_273 : i32
      scf.if %cond3A_274 {
        %ge3A = arith.constant 4 : i32
        %ge3A_554 = arith.cmpi sge, %add3A_234, %ge3A : i32
        %convert_element_type3A_555 = arith.extui %ge3A_554 : i1 to i32
        %cond3A_556 = arith.constant 0 : i32
        %cond3A_557 = arith.cmpi ne, %convert_element_type3A_555, %cond3A_556 : i32
        scf.if %cond3A_557 {
          %sub3A = arith.constant 4 : i32
          %sub3A_572 = arith.subi %add3A_234, %sub3A : i32
          %mul3A_573 = arith.constant 200 : i32
          %mul3A_574 = arith.muli %sub3A_572, %mul3A_573 : i32
          %add3A_575 = arith.addi %mul3A_2, %mul3A_574 : i32
          %dma_wait3A_576 = arith.constant 3 : i32
          %dma_wait3A_577 = arith.constant 3 : i32
          %dma_wait3A_578 = arith.constant 0 : i32
          %dma_wait3A_579 = arith.constant 0 : i32
          %dma_wait3A_580 = tpu.memref_slice %arg11[%dma_wait3A_576, %dma_wait3A_578, %dma_wait3A_579] : memref<4x200x64xf32, #tpu.memory_space<vmem>> -> memref<1x200x64xf32, #tpu.memory_space<vmem>>
          %dma_wait3A_581 = tpu.memref_squeeze %dma_wait3A_580 : memref<1x200x64xf32, #tpu.memory_space<vmem>> -> memref<200x64xf32, #tpu.memory_space<vmem>>
          %dma_wait3A_582 = arith.constant 0 : i32
          %dma_wait3A_583 = tpu.memref_slice %arg7[%add3A_575, %dma_wait3A_582] : memref<204800x64xf32, #tpu.memory_space<hbm>> -> memref<200x64xf32, #tpu.memory_space<hbm>>
          %dma_wait3A_584 = tpu.memref_slice %arg15[%dma_wait3A_577] : memref<4x!tpu.dma_semaphore, #tpu.memory_space<semaphore_mem>> -> memref<1x!tpu.dma_semaphore, #tpu.memory_space<semaphore_mem>>
          %dma_wait3A_585 = tpu.memref_squeeze %dma_wait3A_584 : memref<1x!tpu.dma_semaphore, #tpu.memory_space<semaphore_mem>> -> memref<!tpu.dma_semaphore, #tpu.memory_space<semaphore_mem>>
          %dma_wait3A_586 = arith.constant 0 : i32
          %dma_wait3A_587 = tpu.memref_slice %arg7[%add3A_575, %dma_wait3A_586] : memref<204800x64xf32, #tpu.memory_space<hbm>> -> memref<200x64xf32, #tpu.memory_space<hbm>>
          %dma_wait3A_588 = arith.constant 0 : i32
          %dma_wait3A_589 = arith.constant 0 : i32
          %dma_wait3A_590 = tpu.memref_slice %arg11[%dma_wait3A_576, %dma_wait3A_588, %dma_wait3A_589] : memref<4x200x64xf32, #tpu.memory_space<vmem>> -> memref<1x200x64xf32, #tpu.memory_space<vmem>>
          %dma_wait3A_591 = tpu.memref_squeeze %dma_wait3A_590 : memref<1x200x64xf32, #tpu.memory_space<vmem>> -> memref<200x64xf32, #tpu.memory_space<vmem>>
          tpu.wait_dma2 semaphore(%dma_wait3A_585 : memref<!tpu.dma_semaphore, #tpu.memory_space<semaphore_mem>>) src(%dma_wait3A_591 : memref<200x64xf32, #tpu.memory_space<vmem>>) dst(%dma_wait3A_587 : memref<200x64xf32, #tpu.memory_space<hbm>>)
        } else {
        }
        %mul3A_558 = arith.constant 200 : i32
        %mul3A_559 = arith.muli %add3A_234, %mul3A_558 : i32
        %dma_start3A_560 = arith.constant 3 : i32
        %dma_start3A_561 = arith.constant 3 : i32
        %dma_start3A_562 = arith.constant 0 : i32
        %dma_start3A_563 = arith.constant 0 : i32
        %dma_start3A_564 = tpu.memref_slice %arg11[%dma_start3A_560, %dma_start3A_562, %dma_start3A_563] : memref<4x200x64xf32, #tpu.memory_space<vmem>> -> memref<1x200x64xf32, #tpu.memory_space<vmem>>
        %dma_start3A_565 = tpu.memref_squeeze %dma_start3A_564 : memref<1x200x64xf32, #tpu.memory_space<vmem>> -> memref<200x64xf32, #tpu.memory_space<vmem>>
        %dma_start3A_566 = tpu.memref_slice %arg9[%mul3A_559] : memref<6400xi32, #tpu.memory_space<vmem>> -> memref<200xi32, #tpu.memory_space<vmem>>
        %dma_start3A_567 = arith.constant 0 : i32
        %dma_start3A_568 = arith.constant 0 : i32
        %dma_start3A_569 = tpu.memref_slice %arg5[%dma_start3A_567, %dma_start3A_568] : memref<100000x64xf32, #tpu.memory_space<hbm>> -> memref<100000x64xf32, #tpu.memory_space<hbm>>
        %dma_start3A_570 = tpu.memref_slice %arg14[%dma_start3A_561] : memref<4x!tpu.dma_semaphore, #tpu.memory_space<semaphore_mem>> -> memref<1x!tpu.dma_semaphore, #tpu.memory_space<semaphore_mem>>
        %dma_start3A_571 = tpu.memref_squeeze %dma_start3A_570 : memref<1x!tpu.dma_semaphore, #tpu.memory_space<semaphore_mem>> -> memref<!tpu.dma_semaphore, #tpu.memory_space<semaphore_mem>>
        tpu.enqueue_indirect_dma source(%dma_start3A_569 : memref<100000x64xf32, #tpu.memory_space<hbm>>) target(%dma_start3A_565 : memref<200x64xf32, #tpu.memory_space<vmem>>) offsets(%dma_start3A_566 : memref<200xi32, #tpu.memory_space<vmem>>) semaphore(%dma_start3A_571 : memref<!tpu.dma_semaphore, #tpu.memory_space<semaphore_mem>>)
      } else {
      }
      %mul3A_275 = arith.constant 200 : i32
      %mul3A_276 = arith.muli %add3A_232, %mul3A_275 : i32
      %dma_wait3A_277 = arith.constant 0 : i32
      %dma_wait3A_278 = arith.constant 0 : i32
      %dma_wait3A_279 = arith.constant 0 : i32
      %dma_wait3A_280 = arith.constant 0 : i32
      %dma_wait3A_281 = tpu.memref_slice %arg11[%dma_wait3A_277, %dma_wait3A_279, %dma_wait3A_280] : memref<4x200x64xf32, #tpu.memory_space<vmem>> -> memref<1x200x64xf32, #tpu.memory_space<vmem>>
      %dma_wait3A_282 = tpu.memref_squeeze %dma_wait3A_281 : memref<1x200x64xf32, #tpu.memory_space<vmem>> -> memref<200x64xf32, #tpu.memory_space<vmem>>
      %dma_wait3A_283 = tpu.memref_slice %arg9[%mul3A_276] : memref<6400xi32, #tpu.memory_space<vmem>> -> memref<200xi32, #tpu.memory_space<vmem>>
      %dma_wait3A_284 = arith.constant 0 : i32
      %dma_wait3A_285 = arith.constant 0 : i32
      %dma_wait3A_286 = tpu.memref_slice %arg5[%dma_wait3A_284, %dma_wait3A_285] : memref<100000x64xf32, #tpu.memory_space<hbm>> -> memref<100000x64xf32, #tpu.memory_space<hbm>>
      %dma_wait3A_287 = tpu.memref_slice %arg14[%dma_wait3A_278] : memref<4x!tpu.dma_semaphore, #tpu.memory_space<semaphore_mem>> -> memref<1x!tpu.dma_semaphore, #tpu.memory_space<semaphore_mem>>
      %dma_wait3A_288 = tpu.memref_squeeze %dma_wait3A_287 : memref<1x!tpu.dma_semaphore, #tpu.memory_space<semaphore_mem>> -> memref<!tpu.dma_semaphore, #tpu.memory_space<semaphore_mem>>
      tpu.wait_indirect_dma semaphore(%dma_wait3A_288 : memref<!tpu.dma_semaphore, #tpu.memory_space<semaphore_mem>>) src(%dma_wait3A_286 : memref<100000x64xf32, #tpu.memory_space<hbm>>) dst(%dma_wait3A_282 : memref<200x64xf32, #tpu.memory_space<vmem>>)
      %mul3A_289 = arith.constant 200 : i32
      %mul3A_290 = arith.muli %add3A_232, %mul3A_289 : i32
      %add3A_291 = arith.addi %mul3A_2, %mul3A_290 : i32
      %dma_start3A_292 = arith.constant 0 : i32
      %dma_start3A_293 = arith.constant 0 : i32
      %dma_start3A_294 = arith.constant 0 : i32
      %dma_start3A_295 = arith.constant 0 : i32
      %dma_start3A_296 = tpu.memref_slice %arg11[%dma_start3A_292, %dma_start3A_294, %dma_start3A_295] : memref<4x200x64xf32, #tpu.memory_space<vmem>> -> memref<1x200x64xf32, #tpu.memory_space<vmem>>
      %dma_start3A_297 = tpu.memref_squeeze %dma_start3A_296 : memref<1x200x64xf32, #tpu.memory_space<vmem>> -> memref<200x64xf32, #tpu.memory_space<vmem>>
      %dma_start3A_298 = arith.constant 0 : i32
      %dma_start3A_299 = tpu.memref_slice %arg7[%add3A_291, %dma_start3A_298] : memref<204800x64xf32, #tpu.memory_space<hbm>> -> memref<200x64xf32, #tpu.memory_space<hbm>>
      %dma_start3A_300 = tpu.memref_slice %arg15[%dma_start3A_293] : memref<4x!tpu.dma_semaphore, #tpu.memory_space<semaphore_mem>> -> memref<1x!tpu.dma_semaphore, #tpu.memory_space<semaphore_mem>>
      %dma_start3A_301 = tpu.memref_squeeze %dma_start3A_300 : memref<1x!tpu.dma_semaphore, #tpu.memory_space<semaphore_mem>> -> memref<!tpu.dma_semaphore, #tpu.memory_space<semaphore_mem>>
      %dma_start3A_302 = arith.constant 0 : i32
      %dma_start3A_303 = tpu.memref_slice %arg7[%add3A_291, %dma_start3A_302] : memref<204800x64xf32, #tpu.memory_space<hbm>> -> memref<200x64xf32, #tpu.memory_space<hbm>>
      %dma_start3A_304 = arith.constant 0 : i32
      %dma_start3A_305 = arith.constant 0 : i32
      %dma_start3A_306 = tpu.memref_slice %arg11[%dma_start3A_292, %dma_start3A_304, %dma_start3A_305] : memref<4x200x64xf32, #tpu.memory_space<vmem>> -> memref<1x200x64xf32, #tpu.memory_space<vmem>>
      %dma_start3A_307 = tpu.memref_squeeze %dma_start3A_306 : memref<1x200x64xf32, #tpu.memory_space<vmem>> -> memref<200x64xf32, #tpu.memory_space<vmem>>
      tpu.enqueue_dma source(%dma_start3A_307 : memref<200x64xf32, #tpu.memory_space<vmem>>) target(%dma_start3A_303 : memref<200x64xf32, #tpu.memory_space<hbm>>) target_semaphore(%dma_start3A_301 : memref<!tpu.dma_semaphore, #tpu.memory_space<semaphore_mem>>)
      %mul3A_308 = arith.constant 4 : i32
      %mul3A_309 = arith.muli %scan3A_228, %mul3A_308 : i32
      %add3A_310 = arith.constant 1 : i32
      %add3A_311 = arith.addi %mul3A_309, %add3A_310 : i32
      %add3A_312 = arith.constant 3 : i32
      %add3A_313 = arith.addi %add3A_311, %add3A_312 : i32
      %lt3A_314 = arith.constant 32 : i32
      %lt3A_315 = arith.cmpi slt, %add3A_313, %lt3A_314 : i32
      %convert_element_type3A_316 = arith.extui %lt3A_315 : i1 to i32
      %cond3A_317 = arith.constant 0 : i32
      %cond3A_318 = arith.cmpi ne, %convert_element_type3A_316, %cond3A_317 : i32
      scf.if %cond3A_318 {
        %ge3A = arith.constant 4 : i32
        %ge3A_554 = arith.cmpi sge, %add3A_313, %ge3A : i32
        %convert_element_type3A_555 = arith.extui %ge3A_554 : i1 to i32
        %cond3A_556 = arith.constant 0 : i32
        %cond3A_557 = arith.cmpi ne, %convert_element_type3A_555, %cond3A_556 : i32
        scf.if %cond3A_557 {
          %sub3A = arith.constant 4 : i32
          %sub3A_572 = arith.subi %add3A_313, %sub3A : i32
          %mul3A_573 = arith.constant 200 : i32
          %mul3A_574 = arith.muli %sub3A_572, %mul3A_573 : i32
          %add3A_575 = arith.addi %mul3A_2, %mul3A_574 : i32
          %dma_wait3A_576 = arith.constant 0 : i32
          %dma_wait3A_577 = arith.constant 0 : i32
          %dma_wait3A_578 = arith.constant 0 : i32
          %dma_wait3A_579 = arith.constant 0 : i32
          %dma_wait3A_580 = tpu.memref_slice %arg10[%dma_wait3A_576, %dma_wait3A_578, %dma_wait3A_579] : memref<4x200x64xf32, #tpu.memory_space<vmem>> -> memref<1x200x64xf32, #tpu.memory_space<vmem>>
          %dma_wait3A_581 = tpu.memref_squeeze %dma_wait3A_580 : memref<1x200x64xf32, #tpu.memory_space<vmem>> -> memref<200x64xf32, #tpu.memory_space<vmem>>
          %dma_wait3A_582 = arith.constant 0 : i32
          %dma_wait3A_583 = tpu.memref_slice %arg6[%add3A_575, %dma_wait3A_582] : memref<204800x64xf32, #tpu.memory_space<hbm>> -> memref<200x64xf32, #tpu.memory_space<hbm>>
          %dma_wait3A_584 = tpu.memref_slice %arg13[%dma_wait3A_577] : memref<4x!tpu.dma_semaphore, #tpu.memory_space<semaphore_mem>> -> memref<1x!tpu.dma_semaphore, #tpu.memory_space<semaphore_mem>>
          %dma_wait3A_585 = tpu.memref_squeeze %dma_wait3A_584 : memref<1x!tpu.dma_semaphore, #tpu.memory_space<semaphore_mem>> -> memref<!tpu.dma_semaphore, #tpu.memory_space<semaphore_mem>>
          %dma_wait3A_586 = arith.constant 0 : i32
          %dma_wait3A_587 = tpu.memref_slice %arg6[%add3A_575, %dma_wait3A_586] : memref<204800x64xf32, #tpu.memory_space<hbm>> -> memref<200x64xf32, #tpu.memory_space<hbm>>
          %dma_wait3A_588 = arith.constant 0 : i32
          %dma_wait3A_589 = arith.constant 0 : i32
          %dma_wait3A_590 = tpu.memref_slice %arg10[%dma_wait3A_576, %dma_wait3A_588, %dma_wait3A_589] : memref<4x200x64xf32, #tpu.memory_space<vmem>> -> memref<1x200x64xf32, #tpu.memory_space<vmem>>
          %dma_wait3A_591 = tpu.memref_squeeze %dma_wait3A_590 : memref<1x200x64xf32, #tpu.memory_space<vmem>> -> memref<200x64xf32, #tpu.memory_space<vmem>>
          tpu.wait_dma2 semaphore(%dma_wait3A_585 : memref<!tpu.dma_semaphore, #tpu.memory_space<semaphore_mem>>) src(%dma_wait3A_591 : memref<200x64xf32, #tpu.memory_space<vmem>>) dst(%dma_wait3A_587 : memref<200x64xf32, #tpu.memory_space<hbm>>)
        } else {
        }
        %mul3A_558 = arith.constant 200 : i32
        %mul3A_559 = arith.muli %add3A_313, %mul3A_558 : i32
        %dma_start3A_560 = arith.constant 0 : i32
        %dma_start3A_561 = arith.constant 0 : i32
        %dma_start3A_562 = arith.constant 0 : i32
        %dma_start3A_563 = arith.constant 0 : i32
        %dma_start3A_564 = tpu.memref_slice %arg10[%dma_start3A_560, %dma_start3A_562, %dma_start3A_563] : memref<4x200x64xf32, #tpu.memory_space<vmem>> -> memref<1x200x64xf32, #tpu.memory_space<vmem>>
        %dma_start3A_565 = tpu.memref_squeeze %dma_start3A_564 : memref<1x200x64xf32, #tpu.memory_space<vmem>> -> memref<200x64xf32, #tpu.memory_space<vmem>>
        %dma_start3A_566 = tpu.memref_slice %arg8[%mul3A_559] : memref<6400xi32, #tpu.memory_space<vmem>> -> memref<200xi32, #tpu.memory_space<vmem>>
        %dma_start3A_567 = arith.constant 0 : i32
        %dma_start3A_568 = arith.constant 0 : i32
        %dma_start3A_569 = tpu.memref_slice %arg4[%dma_start3A_567, %dma_start3A_568] : memref<100000x64xf32, #tpu.memory_space<hbm>> -> memref<100000x64xf32, #tpu.memory_space<hbm>>
        %dma_start3A_570 = tpu.memref_slice %arg12[%dma_start3A_561] : memref<4x!tpu.dma_semaphore, #tpu.memory_space<semaphore_mem>> -> memref<1x!tpu.dma_semaphore, #tpu.memory_space<semaphore_mem>>
        %dma_start3A_571 = tpu.memref_squeeze %dma_start3A_570 : memref<1x!tpu.dma_semaphore, #tpu.memory_space<semaphore_mem>> -> memref<!tpu.dma_semaphore, #tpu.memory_space<semaphore_mem>>
        tpu.enqueue_indirect_dma source(%dma_start3A_569 : memref<100000x64xf32, #tpu.memory_space<hbm>>) target(%dma_start3A_565 : memref<200x64xf32, #tpu.memory_space<vmem>>) offsets(%dma_start3A_566 : memref<200xi32, #tpu.memory_space<vmem>>) semaphore(%dma_start3A_571 : memref<!tpu.dma_semaphore, #tpu.memory_space<semaphore_mem>>)
      } else {
      }
      %mul3A_319 = arith.constant 200 : i32
      %mul3A_320 = arith.muli %add3A_311, %mul3A_319 : i32
      %dma_wait3A_321 = arith.constant 1 : i32
      %dma_wait3A_322 = arith.constant 1 : i32
      %dma_wait3A_323 = arith.constant 0 : i32
      %dma_wait3A_324 = arith.constant 0 : i32
      %dma_wait3A_325 = tpu.memref_slice %arg10[%dma_wait3A_321, %dma_wait3A_323, %dma_wait3A_324] : memref<4x200x64xf32, #tpu.memory_space<vmem>> -> memref<1x200x64xf32, #tpu.memory_space<vmem>>
      %dma_wait3A_326 = tpu.memref_squeeze %dma_wait3A_325 : memref<1x200x64xf32, #tpu.memory_space<vmem>> -> memref<200x64xf32, #tpu.memory_space<vmem>>
      %dma_wait3A_327 = tpu.memref_slice %arg8[%mul3A_320] : memref<6400xi32, #tpu.memory_space<vmem>> -> memref<200xi32, #tpu.memory_space<vmem>>
      %dma_wait3A_328 = arith.constant 0 : i32
      %dma_wait3A_329 = arith.constant 0 : i32
      %dma_wait3A_330 = tpu.memref_slice %arg4[%dma_wait3A_328, %dma_wait3A_329] : memref<100000x64xf32, #tpu.memory_space<hbm>> -> memref<100000x64xf32, #tpu.memory_space<hbm>>
      %dma_wait3A_331 = tpu.memref_slice %arg12[%dma_wait3A_322] : memref<4x!tpu.dma_semaphore, #tpu.memory_space<semaphore_mem>> -> memref<1x!tpu.dma_semaphore, #tpu.memory_space<semaphore_mem>>
      %dma_wait3A_332 = tpu.memref_squeeze %dma_wait3A_331 : memref<1x!tpu.dma_semaphore, #tpu.memory_space<semaphore_mem>> -> memref<!tpu.dma_semaphore, #tpu.memory_space<semaphore_mem>>
      tpu.wait_indirect_dma semaphore(%dma_wait3A_332 : memref<!tpu.dma_semaphore, #tpu.memory_space<semaphore_mem>>) src(%dma_wait3A_330 : memref<100000x64xf32, #tpu.memory_space<hbm>>) dst(%dma_wait3A_326 : memref<200x64xf32, #tpu.memory_space<vmem>>)
      %mul3A_333 = arith.constant 200 : i32
      %mul3A_334 = arith.muli %add3A_311, %mul3A_333 : i32
      %add3A_335 = arith.addi %mul3A_2, %mul3A_334 : i32
      %dma_start3A_336 = arith.constant 1 : i32
      %dma_start3A_337 = arith.constant 1 : i32
      %dma_start3A_338 = arith.constant 0 : i32
      %dma_start3A_339 = arith.constant 0 : i32
      %dma_start3A_340 = tpu.memref_slice %arg10[%dma_start3A_336, %dma_start3A_338, %dma_start3A_339] : memref<4x200x64xf32, #tpu.memory_space<vmem>> -> memref<1x200x64xf32, #tpu.memory_space<vmem>>
      %dma_start3A_341 = tpu.memref_squeeze %dma_start3A_340 : memref<1x200x64xf32, #tpu.memory_space<vmem>> -> memref<200x64xf32, #tpu.memory_space<vmem>>
      %dma_start3A_342 = arith.constant 0 : i32
      %dma_start3A_343 = tpu.memref_slice %arg6[%add3A_335, %dma_start3A_342] : memref<204800x64xf32, #tpu.memory_space<hbm>> -> memref<200x64xf32, #tpu.memory_space<hbm>>
      %dma_start3A_344 = tpu.memref_slice %arg13[%dma_start3A_337] : memref<4x!tpu.dma_semaphore, #tpu.memory_space<semaphore_mem>> -> memref<1x!tpu.dma_semaphore, #tpu.memory_space<semaphore_mem>>
      %dma_start3A_345 = tpu.memref_squeeze %dma_start3A_344 : memref<1x!tpu.dma_semaphore, #tpu.memory_space<semaphore_mem>> -> memref<!tpu.dma_semaphore, #tpu.memory_space<semaphore_mem>>
      %dma_start3A_346 = arith.constant 0 : i32
      %dma_start3A_347 = tpu.memref_slice %arg6[%add3A_335, %dma_start3A_346] : memref<204800x64xf32, #tpu.memory_space<hbm>> -> memref<200x64xf32, #tpu.memory_space<hbm>>
      %dma_start3A_348 = arith.constant 0 : i32
      %dma_start3A_349 = arith.constant 0 : i32
      %dma_start3A_350 = tpu.memref_slice %arg10[%dma_start3A_336, %dma_start3A_348, %dma_start3A_349] : memref<4x200x64xf32, #tpu.memory_space<vmem>> -> memref<1x200x64xf32, #tpu.memory_space<vmem>>
      %dma_start3A_351 = tpu.memref_squeeze %dma_start3A_350 : memref<1x200x64xf32, #tpu.memory_space<vmem>> -> memref<200x64xf32, #tpu.memory_space<vmem>>
      tpu.enqueue_dma source(%dma_start3A_351 : memref<200x64xf32, #tpu.memory_space<vmem>>) target(%dma_start3A_347 : memref<200x64xf32, #tpu.memory_space<hbm>>) target_semaphore(%dma_start3A_345 : memref<!tpu.dma_semaphore, #tpu.memory_space<semaphore_mem>>)
      %lt3A_352 = arith.constant 32 : i32
      %lt3A_353 = arith.cmpi slt, %add3A_313, %lt3A_352 : i32
      %convert_element_type3A_354 = arith.extui %lt3A_353 : i1 to i32
      %cond3A_355 = arith.constant 0 : i32
      %cond3A_356 = arith.cmpi ne, %convert_element_type3A_354, %cond3A_355 : i32
      scf.if %cond3A_356 {
        %ge3A = arith.constant 4 : i32
        %ge3A_554 = arith.cmpi sge, %add3A_313, %ge3A : i32
        %convert_element_type3A_555 = arith.extui %ge3A_554 : i1 to i32
        %cond3A_556 = arith.constant 0 : i32
        %cond3A_557 = arith.cmpi ne, %convert_element_type3A_555, %cond3A_556 : i32
        scf.if %cond3A_557 {
          %sub3A = arith.constant 4 : i32
          %sub3A_572 = arith.subi %add3A_313, %sub3A : i32
          %mul3A_573 = arith.constant 200 : i32
          %mul3A_574 = arith.muli %sub3A_572, %mul3A_573 : i32
          %add3A_575 = arith.addi %mul3A_2, %mul3A_574 : i32
          %dma_wait3A_576 = arith.constant 0 : i32
          %dma_wait3A_577 = arith.constant 0 : i32
          %dma_wait3A_578 = arith.constant 0 : i32
          %dma_wait3A_579 = arith.constant 0 : i32
          %dma_wait3A_580 = tpu.memref_slice %arg11[%dma_wait3A_576, %dma_wait3A_578, %dma_wait3A_579] : memref<4x200x64xf32, #tpu.memory_space<vmem>> -> memref<1x200x64xf32, #tpu.memory_space<vmem>>
          %dma_wait3A_581 = tpu.memref_squeeze %dma_wait3A_580 : memref<1x200x64xf32, #tpu.memory_space<vmem>> -> memref<200x64xf32, #tpu.memory_space<vmem>>
          %dma_wait3A_582 = arith.constant 0 : i32
          %dma_wait3A_583 = tpu.memref_slice %arg7[%add3A_575, %dma_wait3A_582] : memref<204800x64xf32, #tpu.memory_space<hbm>> -> memref<200x64xf32, #tpu.memory_space<hbm>>
          %dma_wait3A_584 = tpu.memref_slice %arg15[%dma_wait3A_577] : memref<4x!tpu.dma_semaphore, #tpu.memory_space<semaphore_mem>> -> memref<1x!tpu.dma_semaphore, #tpu.memory_space<semaphore_mem>>
          %dma_wait3A_585 = tpu.memref_squeeze %dma_wait3A_584 : memref<1x!tpu.dma_semaphore, #tpu.memory_space<semaphore_mem>> -> memref<!tpu.dma_semaphore, #tpu.memory_space<semaphore_mem>>
          %dma_wait3A_586 = arith.constant 0 : i32
          %dma_wait3A_587 = tpu.memref_slice %arg7[%add3A_575, %dma_wait3A_586] : memref<204800x64xf32, #tpu.memory_space<hbm>> -> memref<200x64xf32, #tpu.memory_space<hbm>>
          %dma_wait3A_588 = arith.constant 0 : i32
          %dma_wait3A_589 = arith.constant 0 : i32
          %dma_wait3A_590 = tpu.memref_slice %arg11[%dma_wait3A_576, %dma_wait3A_588, %dma_wait3A_589] : memref<4x200x64xf32, #tpu.memory_space<vmem>> -> memref<1x200x64xf32, #tpu.memory_space<vmem>>
          %dma_wait3A_591 = tpu.memref_squeeze %dma_wait3A_590 : memref<1x200x64xf32, #tpu.memory_space<vmem>> -> memref<200x64xf32, #tpu.memory_space<vmem>>
          tpu.wait_dma2 semaphore(%dma_wait3A_585 : memref<!tpu.dma_semaphore, #tpu.memory_space<semaphore_mem>>) src(%dma_wait3A_591 : memref<200x64xf32, #tpu.memory_space<vmem>>) dst(%dma_wait3A_587 : memref<200x64xf32, #tpu.memory_space<hbm>>)
        } else {
        }
        %mul3A_558 = arith.constant 200 : i32
        %mul3A_559 = arith.muli %add3A_313, %mul3A_558 : i32
        %dma_start3A_560 = arith.constant 0 : i32
        %dma_start3A_561 = arith.constant 0 : i32
        %dma_start3A_562 = arith.constant 0 : i32
        %dma_start3A_563 = arith.constant 0 : i32
        %dma_start3A_564 = tpu.memref_slice %arg11[%dma_start3A_560, %dma_start3A_562, %dma_start3A_563] : memref<4x200x64xf32, #tpu.memory_space<vmem>> -> memref<1x200x64xf32, #tpu.memory_space<vmem>>
        %dma_start3A_565 = tpu.memref_squeeze %dma_start3A_564 : memref<1x200x64xf32, #tpu.memory_space<vmem>> -> memref<200x64xf32, #tpu.memory_space<vmem>>
        %dma_start3A_566 = tpu.memref_slice %arg9[%mul3A_559] : memref<6400xi32, #tpu.memory_space<vmem>> -> memref<200xi32, #tpu.memory_space<vmem>>
        %dma_start3A_567 = arith.constant 0 : i32
        %dma_start3A_568 = arith.constant 0 : i32
        %dma_start3A_569 = tpu.memref_slice %arg5[%dma_start3A_567, %dma_start3A_568] : memref<100000x64xf32, #tpu.memory_space<hbm>> -> memref<100000x64xf32, #tpu.memory_space<hbm>>
        %dma_start3A_570 = tpu.memref_slice %arg14[%dma_start3A_561] : memref<4x!tpu.dma_semaphore, #tpu.memory_space<semaphore_mem>> -> memref<1x!tpu.dma_semaphore, #tpu.memory_space<semaphore_mem>>
        %dma_start3A_571 = tpu.memref_squeeze %dma_start3A_570 : memref<1x!tpu.dma_semaphore, #tpu.memory_space<semaphore_mem>> -> memref<!tpu.dma_semaphore, #tpu.memory_space<semaphore_mem>>
        tpu.enqueue_indirect_dma source(%dma_start3A_569 : memref<100000x64xf32, #tpu.memory_space<hbm>>) target(%dma_start3A_565 : memref<200x64xf32, #tpu.memory_space<vmem>>) offsets(%dma_start3A_566 : memref<200xi32, #tpu.memory_space<vmem>>) semaphore(%dma_start3A_571 : memref<!tpu.dma_semaphore, #tpu.memory_space<semaphore_mem>>)
      } else {
      }
      %mul3A_357 = arith.constant 200 : i32
      %mul3A_358 = arith.muli %add3A_311, %mul3A_357 : i32
      %dma_wait3A_359 = arith.constant 1 : i32
      %dma_wait3A_360 = arith.constant 1 : i32
      %dma_wait3A_361 = arith.constant 0 : i32
      %dma_wait3A_362 = arith.constant 0 : i32
      %dma_wait3A_363 = tpu.memref_slice %arg11[%dma_wait3A_359, %dma_wait3A_361, %dma_wait3A_362] : memref<4x200x64xf32, #tpu.memory_space<vmem>> -> memref<1x200x64xf32, #tpu.memory_space<vmem>>
      %dma_wait3A_364 = tpu.memref_squeeze %dma_wait3A_363 : memref<1x200x64xf32, #tpu.memory_space<vmem>> -> memref<200x64xf32, #tpu.memory_space<vmem>>
      %dma_wait3A_365 = tpu.memref_slice %arg9[%mul3A_358] : memref<6400xi32, #tpu.memory_space<vmem>> -> memref<200xi32, #tpu.memory_space<vmem>>
      %dma_wait3A_366 = arith.constant 0 : i32
      %dma_wait3A_367 = arith.constant 0 : i32
      %dma_wait3A_368 = tpu.memref_slice %arg5[%dma_wait3A_366, %dma_wait3A_367] : memref<100000x64xf32, #tpu.memory_space<hbm>> -> memref<100000x64xf32, #tpu.memory_space<hbm>>
      %dma_wait3A_369 = tpu.memref_slice %arg14[%dma_wait3A_360] : memref<4x!tpu.dma_semaphore, #tpu.memory_space<semaphore_mem>> -> memref<1x!tpu.dma_semaphore, #tpu.memory_space<semaphore_mem>>
      %dma_wait3A_370 = tpu.memref_squeeze %dma_wait3A_369 : memref<1x!tpu.dma_semaphore, #tpu.memory_space<semaphore_mem>> -> memref<!tpu.dma_semaphore, #tpu.memory_space<semaphore_mem>>
      tpu.wait_indirect_dma semaphore(%dma_wait3A_370 : memref<!tpu.dma_semaphore, #tpu.memory_space<semaphore_mem>>) src(%dma_wait3A_368 : memref<100000x64xf32, #tpu.memory_space<hbm>>) dst(%dma_wait3A_364 : memref<200x64xf32, #tpu.memory_space<vmem>>)
      %mul3A_371 = arith.constant 200 : i32
      %mul3A_372 = arith.muli %add3A_311, %mul3A_371 : i32
      %add3A_373 = arith.addi %mul3A_2, %mul3A_372 : i32
      %dma_start3A_374 = arith.constant 1 : i32
      %dma_start3A_375 = arith.constant 1 : i32
      %dma_start3A_376 = arith.constant 0 : i32
      %dma_start3A_377 = arith.constant 0 : i32
      %dma_start3A_378 = tpu.memref_slice %arg11[%dma_start3A_374, %dma_start3A_376, %dma_start3A_377] : memref<4x200x64xf32, #tpu.memory_space<vmem>> -> memref<1x200x64xf32, #tpu.memory_space<vmem>>
      %dma_start3A_379 = tpu.memref_squeeze %dma_start3A_378 : memref<1x200x64xf32, #tpu.memory_space<vmem>> -> memref<200x64xf32, #tpu.memory_space<vmem>>
      %dma_start3A_380 = arith.constant 0 : i32
      %dma_start3A_381 = tpu.memref_slice %arg7[%add3A_373, %dma_start3A_380] : memref<204800x64xf32, #tpu.memory_space<hbm>> -> memref<200x64xf32, #tpu.memory_space<hbm>>
      %dma_start3A_382 = tpu.memref_slice %arg15[%dma_start3A_375] : memref<4x!tpu.dma_semaphore, #tpu.memory_space<semaphore_mem>> -> memref<1x!tpu.dma_semaphore, #tpu.memory_space<semaphore_mem>>
      %dma_start3A_383 = tpu.memref_squeeze %dma_start3A_382 : memref<1x!tpu.dma_semaphore, #tpu.memory_space<semaphore_mem>> -> memref<!tpu.dma_semaphore, #tpu.memory_space<semaphore_mem>>
      %dma_start3A_384 = arith.constant 0 : i32
      %dma_start3A_385 = tpu.memref_slice %arg7[%add3A_373, %dma_start3A_384] : memref<204800x64xf32, #tpu.memory_space<hbm>> -> memref<200x64xf32, #tpu.memory_space<hbm>>
      %dma_start3A_386 = arith.constant 0 : i32
      %dma_start3A_387 = arith.constant 0 : i32
      %dma_start3A_388 = tpu.memref_slice %arg11[%dma_start3A_374, %dma_start3A_386, %dma_start3A_387] : memref<4x200x64xf32, #tpu.memory_space<vmem>> -> memref<1x200x64xf32, #tpu.memory_space<vmem>>
      %dma_start3A_389 = tpu.memref_squeeze %dma_start3A_388 : memref<1x200x64xf32, #tpu.memory_space<vmem>> -> memref<200x64xf32, #tpu.memory_space<vmem>>
      tpu.enqueue_dma source(%dma_start3A_389 : memref<200x64xf32, #tpu.memory_space<vmem>>) target(%dma_start3A_385 : memref<200x64xf32, #tpu.memory_space<hbm>>) target_semaphore(%dma_start3A_383 : memref<!tpu.dma_semaphore, #tpu.memory_space<semaphore_mem>>)
      %mul3A_390 = arith.constant 4 : i32
      %mul3A_391 = arith.muli %scan3A_228, %mul3A_390 : i32
      %add3A_392 = arith.constant 2 : i32
      %add3A_393 = arith.addi %mul3A_391, %add3A_392 : i32
      %add3A_394 = arith.constant 3 : i32
      %add3A_395 = arith.addi %add3A_393, %add3A_394 : i32
      %lt3A_396 = arith.constant 32 : i32
      %lt3A_397 = arith.cmpi slt, %add3A_395, %lt3A_396 : i32
      %convert_element_type3A_398 = arith.extui %lt3A_397 : i1 to i32
      %cond3A_399 = arith.constant 0 : i32
      %cond3A_400 = arith.cmpi ne, %convert_element_type3A_398, %cond3A_399 : i32
      scf.if %cond3A_400 {
        %ge3A = arith.constant 4 : i32
        %ge3A_554 = arith.cmpi sge, %add3A_395, %ge3A : i32
        %convert_element_type3A_555 = arith.extui %ge3A_554 : i1 to i32
        %cond3A_556 = arith.constant 0 : i32
        %cond3A_557 = arith.cmpi ne, %convert_element_type3A_555, %cond3A_556 : i32
        scf.if %cond3A_557 {
          %sub3A = arith.constant 4 : i32
          %sub3A_572 = arith.subi %add3A_395, %sub3A : i32
          %mul3A_573 = arith.constant 200 : i32
          %mul3A_574 = arith.muli %sub3A_572, %mul3A_573 : i32
          %add3A_575 = arith.addi %mul3A_2, %mul3A_574 : i32
          %dma_wait3A_576 = arith.constant 1 : i32
          %dma_wait3A_577 = arith.constant 1 : i32
          %dma_wait3A_578 = arith.constant 0 : i32
          %dma_wait3A_579 = arith.constant 0 : i32
          %dma_wait3A_580 = tpu.memref_slice %arg10[%dma_wait3A_576, %dma_wait3A_578, %dma_wait3A_579] : memref<4x200x64xf32, #tpu.memory_space<vmem>> -> memref<1x200x64xf32, #tpu.memory_space<vmem>>
          %dma_wait3A_581 = tpu.memref_squeeze %dma_wait3A_580 : memref<1x200x64xf32, #tpu.memory_space<vmem>> -> memref<200x64xf32, #tpu.memory_space<vmem>>
          %dma_wait3A_582 = arith.constant 0 : i32
          %dma_wait3A_583 = tpu.memref_slice %arg6[%add3A_575, %dma_wait3A_582] : memref<204800x64xf32, #tpu.memory_space<hbm>> -> memref<200x64xf32, #tpu.memory_space<hbm>>
          %dma_wait3A_584 = tpu.memref_slice %arg13[%dma_wait3A_577] : memref<4x!tpu.dma_semaphore, #tpu.memory_space<semaphore_mem>> -> memref<1x!tpu.dma_semaphore, #tpu.memory_space<semaphore_mem>>
          %dma_wait3A_585 = tpu.memref_squeeze %dma_wait3A_584 : memref<1x!tpu.dma_semaphore, #tpu.memory_space<semaphore_mem>> -> memref<!tpu.dma_semaphore, #tpu.memory_space<semaphore_mem>>
          %dma_wait3A_586 = arith.constant 0 : i32
          %dma_wait3A_587 = tpu.memref_slice %arg6[%add3A_575, %dma_wait3A_586] : memref<204800x64xf32, #tpu.memory_space<hbm>> -> memref<200x64xf32, #tpu.memory_space<hbm>>
          %dma_wait3A_588 = arith.constant 0 : i32
          %dma_wait3A_589 = arith.constant 0 : i32
          %dma_wait3A_590 = tpu.memref_slice %arg10[%dma_wait3A_576, %dma_wait3A_588, %dma_wait3A_589] : memref<4x200x64xf32, #tpu.memory_space<vmem>> -> memref<1x200x64xf32, #tpu.memory_space<vmem>>
          %dma_wait3A_591 = tpu.memref_squeeze %dma_wait3A_590 : memref<1x200x64xf32, #tpu.memory_space<vmem>> -> memref<200x64xf32, #tpu.memory_space<vmem>>
          tpu.wait_dma2 semaphore(%dma_wait3A_585 : memref<!tpu.dma_semaphore, #tpu.memory_space<semaphore_mem>>) src(%dma_wait3A_591 : memref<200x64xf32, #tpu.memory_space<vmem>>) dst(%dma_wait3A_587 : memref<200x64xf32, #tpu.memory_space<hbm>>)
        } else {
        }
        %mul3A_558 = arith.constant 200 : i32
        %mul3A_559 = arith.muli %add3A_395, %mul3A_558 : i32
        %dma_start3A_560 = arith.constant 1 : i32
        %dma_start3A_561 = arith.constant 1 : i32
        %dma_start3A_562 = arith.constant 0 : i32
        %dma_start3A_563 = arith.constant 0 : i32
        %dma_start3A_564 = tpu.memref_slice %arg10[%dma_start3A_560, %dma_start3A_562, %dma_start3A_563] : memref<4x200x64xf32, #tpu.memory_space<vmem>> -> memref<1x200x64xf32, #tpu.memory_space<vmem>>
        %dma_start3A_565 = tpu.memref_squeeze %dma_start3A_564 : memref<1x200x64xf32, #tpu.memory_space<vmem>> -> memref<200x64xf32, #tpu.memory_space<vmem>>
        %dma_start3A_566 = tpu.memref_slice %arg8[%mul3A_559] : memref<6400xi32, #tpu.memory_space<vmem>> -> memref<200xi32, #tpu.memory_space<vmem>>
        %dma_start3A_567 = arith.constant 0 : i32
        %dma_start3A_568 = arith.constant 0 : i32
        %dma_start3A_569 = tpu.memref_slice %arg4[%dma_start3A_567, %dma_start3A_568] : memref<100000x64xf32, #tpu.memory_space<hbm>> -> memref<100000x64xf32, #tpu.memory_space<hbm>>
        %dma_start3A_570 = tpu.memref_slice %arg12[%dma_start3A_561] : memref<4x!tpu.dma_semaphore, #tpu.memory_space<semaphore_mem>> -> memref<1x!tpu.dma_semaphore, #tpu.memory_space<semaphore_mem>>
        %dma_start3A_571 = tpu.memref_squeeze %dma_start3A_570 : memref<1x!tpu.dma_semaphore, #tpu.memory_space<semaphore_mem>> -> memref<!tpu.dma_semaphore, #tpu.memory_space<semaphore_mem>>
        tpu.enqueue_indirect_dma source(%dma_start3A_569 : memref<100000x64xf32, #tpu.memory_space<hbm>>) target(%dma_start3A_565 : memref<200x64xf32, #tpu.memory_space<vmem>>) offsets(%dma_start3A_566 : memref<200xi32, #tpu.memory_space<vmem>>) semaphore(%dma_start3A_571 : memref<!tpu.dma_semaphore, #tpu.memory_space<semaphore_mem>>)
      } else {
      }
      %mul3A_401 = arith.constant 200 : i32
      %mul3A_402 = arith.muli %add3A_393, %mul3A_401 : i32
      %dma_wait3A_403 = arith.constant 2 : i32
      %dma_wait3A_404 = arith.constant 2 : i32
      %dma_wait3A_405 = arith.constant 0 : i32
      %dma_wait3A_406 = arith.constant 0 : i32
      %dma_wait3A_407 = tpu.memref_slice %arg10[%dma_wait3A_403, %dma_wait3A_405, %dma_wait3A_406] : memref<4x200x64xf32, #tpu.memory_space<vmem>> -> memref<1x200x64xf32, #tpu.memory_space<vmem>>
      %dma_wait3A_408 = tpu.memref_squeeze %dma_wait3A_407 : memref<1x200x64xf32, #tpu.memory_space<vmem>> -> memref<200x64xf32, #tpu.memory_space<vmem>>
      %dma_wait3A_409 = tpu.memref_slice %arg8[%mul3A_402] : memref<6400xi32, #tpu.memory_space<vmem>> -> memref<200xi32, #tpu.memory_space<vmem>>
      %dma_wait3A_410 = arith.constant 0 : i32
      %dma_wait3A_411 = arith.constant 0 : i32
      %dma_wait3A_412 = tpu.memref_slice %arg4[%dma_wait3A_410, %dma_wait3A_411] : memref<100000x64xf32, #tpu.memory_space<hbm>> -> memref<100000x64xf32, #tpu.memory_space<hbm>>
      %dma_wait3A_413 = tpu.memref_slice %arg12[%dma_wait3A_404] : memref<4x!tpu.dma_semaphore, #tpu.memory_space<semaphore_mem>> -> memref<1x!tpu.dma_semaphore, #tpu.memory_space<semaphore_mem>>
      %dma_wait3A_414 = tpu.memref_squeeze %dma_wait3A_413 : memref<1x!tpu.dma_semaphore, #tpu.memory_space<semaphore_mem>> -> memref<!tpu.dma_semaphore, #tpu.memory_space<semaphore_mem>>
      tpu.wait_indirect_dma semaphore(%dma_wait3A_414 : memref<!tpu.dma_semaphore, #tpu.memory_space<semaphore_mem>>) src(%dma_wait3A_412 : memref<100000x64xf32, #tpu.memory_space<hbm>>) dst(%dma_wait3A_408 : memref<200x64xf32, #tpu.memory_space<vmem>>)
      %mul3A_415 = arith.constant 200 : i32
      %mul3A_416 = arith.muli %add3A_393, %mul3A_415 : i32
      %add3A_417 = arith.addi %mul3A_2, %mul3A_416 : i32
      %dma_start3A_418 = arith.constant 2 : i32
      %dma_start3A_419 = arith.constant 2 : i32
      %dma_start3A_420 = arith.constant 0 : i32
      %dma_start3A_421 = arith.constant 0 : i32
      %dma_start3A_422 = tpu.memref_slice %arg10[%dma_start3A_418, %dma_start3A_420, %dma_start3A_421] : memref<4x200x64xf32, #tpu.memory_space<vmem>> -> memref<1x200x64xf32, #tpu.memory_space<vmem>>
      %dma_start3A_423 = tpu.memref_squeeze %dma_start3A_422 : memref<1x200x64xf32, #tpu.memory_space<vmem>> -> memref<200x64xf32, #tpu.memory_space<vmem>>
      %dma_start3A_424 = arith.constant 0 : i32
      %dma_start3A_425 = tpu.memref_slice %arg6[%add3A_417, %dma_start3A_424] : memref<204800x64xf32, #tpu.memory_space<hbm>> -> memref<200x64xf32, #tpu.memory_space<hbm>>
      %dma_start3A_426 = tpu.memref_slice %arg13[%dma_start3A_419] : memref<4x!tpu.dma_semaphore, #tpu.memory_space<semaphore_mem>> -> memref<1x!tpu.dma_semaphore, #tpu.memory_space<semaphore_mem>>
      %dma_start3A_427 = tpu.memref_squeeze %dma_start3A_426 : memref<1x!tpu.dma_semaphore, #tpu.memory_space<semaphore_mem>> -> memref<!tpu.dma_semaphore, #tpu.memory_space<semaphore_mem>>
      %dma_start3A_428 = arith.constant 0 : i32
      %dma_start3A_429 = tpu.memref_slice %arg6[%add3A_417, %dma_start3A_428] : memref<204800x64xf32, #tpu.memory_space<hbm>> -> memref<200x64xf32, #tpu.memory_space<hbm>>
      %dma_start3A_430 = arith.constant 0 : i32
      %dma_start3A_431 = arith.constant 0 : i32
      %dma_start3A_432 = tpu.memref_slice %arg10[%dma_start3A_418, %dma_start3A_430, %dma_start3A_431] : memref<4x200x64xf32, #tpu.memory_space<vmem>> -> memref<1x200x64xf32, #tpu.memory_space<vmem>>
      %dma_start3A_433 = tpu.memref_squeeze %dma_start3A_432 : memref<1x200x64xf32, #tpu.memory_space<vmem>> -> memref<200x64xf32, #tpu.memory_space<vmem>>
      tpu.enqueue_dma source(%dma_start3A_433 : memref<200x64xf32, #tpu.memory_space<vmem>>) target(%dma_start3A_429 : memref<200x64xf32, #tpu.memory_space<hbm>>) target_semaphore(%dma_start3A_427 : memref<!tpu.dma_semaphore, #tpu.memory_space<semaphore_mem>>)
      %lt3A_434 = arith.constant 32 : i32
      %lt3A_435 = arith.cmpi slt, %add3A_395, %lt3A_434 : i32
      %convert_element_type3A_436 = arith.extui %lt3A_435 : i1 to i32
      %cond3A_437 = arith.constant 0 : i32
      %cond3A_438 = arith.cmpi ne, %convert_element_type3A_436, %cond3A_437 : i32
      scf.if %cond3A_438 {
        %ge3A = arith.constant 4 : i32
        %ge3A_554 = arith.cmpi sge, %add3A_395, %ge3A : i32
        %convert_element_type3A_555 = arith.extui %ge3A_554 : i1 to i32
        %cond3A_556 = arith.constant 0 : i32
        %cond3A_557 = arith.cmpi ne, %convert_element_type3A_555, %cond3A_556 : i32
        scf.if %cond3A_557 {
          %sub3A = arith.constant 4 : i32
          %sub3A_572 = arith.subi %add3A_395, %sub3A : i32
          %mul3A_573 = arith.constant 200 : i32
          %mul3A_574 = arith.muli %sub3A_572, %mul3A_573 : i32
          %add3A_575 = arith.addi %mul3A_2, %mul3A_574 : i32
          %dma_wait3A_576 = arith.constant 1 : i32
          %dma_wait3A_577 = arith.constant 1 : i32
          %dma_wait3A_578 = arith.constant 0 : i32
          %dma_wait3A_579 = arith.constant 0 : i32
          %dma_wait3A_580 = tpu.memref_slice %arg11[%dma_wait3A_576, %dma_wait3A_578, %dma_wait3A_579] : memref<4x200x64xf32, #tpu.memory_space<vmem>> -> memref<1x200x64xf32, #tpu.memory_space<vmem>>
          %dma_wait3A_581 = tpu.memref_squeeze %dma_wait3A_580 : memref<1x200x64xf32, #tpu.memory_space<vmem>> -> memref<200x64xf32, #tpu.memory_space<vmem>>
          %dma_wait3A_582 = arith.constant 0 : i32
          %dma_wait3A_583 = tpu.memref_slice %arg7[%add3A_575, %dma_wait3A_582] : memref<204800x64xf32, #tpu.memory_space<hbm>> -> memref<200x64xf32, #tpu.memory_space<hbm>>
          %dma_wait3A_584 = tpu.memref_slice %arg15[%dma_wait3A_577] : memref<4x!tpu.dma_semaphore, #tpu.memory_space<semaphore_mem>> -> memref<1x!tpu.dma_semaphore, #tpu.memory_space<semaphore_mem>>
          %dma_wait3A_585 = tpu.memref_squeeze %dma_wait3A_584 : memref<1x!tpu.dma_semaphore, #tpu.memory_space<semaphore_mem>> -> memref<!tpu.dma_semaphore, #tpu.memory_space<semaphore_mem>>
          %dma_wait3A_586 = arith.constant 0 : i32
          %dma_wait3A_587 = tpu.memref_slice %arg7[%add3A_575, %dma_wait3A_586] : memref<204800x64xf32, #tpu.memory_space<hbm>> -> memref<200x64xf32, #tpu.memory_space<hbm>>
          %dma_wait3A_588 = arith.constant 0 : i32
          %dma_wait3A_589 = arith.constant 0 : i32
          %dma_wait3A_590 = tpu.memref_slice %arg11[%dma_wait3A_576, %dma_wait3A_588, %dma_wait3A_589] : memref<4x200x64xf32, #tpu.memory_space<vmem>> -> memref<1x200x64xf32, #tpu.memory_space<vmem>>
          %dma_wait3A_591 = tpu.memref_squeeze %dma_wait3A_590 : memref<1x200x64xf32, #tpu.memory_space<vmem>> -> memref<200x64xf32, #tpu.memory_space<vmem>>
          tpu.wait_dma2 semaphore(%dma_wait3A_585 : memref<!tpu.dma_semaphore, #tpu.memory_space<semaphore_mem>>) src(%dma_wait3A_591 : memref<200x64xf32, #tpu.memory_space<vmem>>) dst(%dma_wait3A_587 : memref<200x64xf32, #tpu.memory_space<hbm>>)
        } else {
        }
        %mul3A_558 = arith.constant 200 : i32
        %mul3A_559 = arith.muli %add3A_395, %mul3A_558 : i32
        %dma_start3A_560 = arith.constant 1 : i32
        %dma_start3A_561 = arith.constant 1 : i32
        %dma_start3A_562 = arith.constant 0 : i32
        %dma_start3A_563 = arith.constant 0 : i32
        %dma_start3A_564 = tpu.memref_slice %arg11[%dma_start3A_560, %dma_start3A_562, %dma_start3A_563] : memref<4x200x64xf32, #tpu.memory_space<vmem>> -> memref<1x200x64xf32, #tpu.memory_space<vmem>>
        %dma_start3A_565 = tpu.memref_squeeze %dma_start3A_564 : memref<1x200x64xf32, #tpu.memory_space<vmem>> -> memref<200x64xf32, #tpu.memory_space<vmem>>
        %dma_start3A_566 = tpu.memref_slice %arg9[%mul3A_559] : memref<6400xi32, #tpu.memory_space<vmem>> -> memref<200xi32, #tpu.memory_space<vmem>>
        %dma_start3A_567 = arith.constant 0 : i32
        %dma_start3A_568 = arith.constant 0 : i32
        %dma_start3A_569 = tpu.memref_slice %arg5[%dma_start3A_567, %dma_start3A_568] : memref<100000x64xf32, #tpu.memory_space<hbm>> -> memref<100000x64xf32, #tpu.memory_space<hbm>>
        %dma_start3A_570 = tpu.memref_slice %arg14[%dma_start3A_561] : memref<4x!tpu.dma_semaphore, #tpu.memory_space<semaphore_mem>> -> memref<1x!tpu.dma_semaphore, #tpu.memory_space<semaphore_mem>>
        %dma_start3A_571 = tpu.memref_squeeze %dma_start3A_570 : memref<1x!tpu.dma_semaphore, #tpu.memory_space<semaphore_mem>> -> memref<!tpu.dma_semaphore, #tpu.memory_space<semaphore_mem>>
        tpu.enqueue_indirect_dma source(%dma_start3A_569 : memref<100000x64xf32, #tpu.memory_space<hbm>>) target(%dma_start3A_565 : memref<200x64xf32, #tpu.memory_space<vmem>>) offsets(%dma_start3A_566 : memref<200xi32, #tpu.memory_space<vmem>>) semaphore(%dma_start3A_571 : memref<!tpu.dma_semaphore, #tpu.memory_space<semaphore_mem>>)
      } else {
      }
      %mul3A_439 = arith.constant 200 : i32
      %mul3A_440 = arith.muli %add3A_393, %mul3A_439 : i32
      %dma_wait3A_441 = arith.constant 2 : i32
      %dma_wait3A_442 = arith.constant 2 : i32
      %dma_wait3A_443 = arith.constant 0 : i32
      %dma_wait3A_444 = arith.constant 0 : i32
      %dma_wait3A_445 = tpu.memref_slice %arg11[%dma_wait3A_441, %dma_wait3A_443, %dma_wait3A_444] : memref<4x200x64xf32, #tpu.memory_space<vmem>> -> memref<1x200x64xf32, #tpu.memory_space<vmem>>
      %dma_wait3A_446 = tpu.memref_squeeze %dma_wait3A_445 : memref<1x200x64xf32, #tpu.memory_space<vmem>> -> memref<200x64xf32, #tpu.memory_space<vmem>>
      %dma_wait3A_447 = tpu.memref_slice %arg9[%mul3A_440] : memref<6400xi32, #tpu.memory_space<vmem>> -> memref<200xi32, #tpu.memory_space<vmem>>
      %dma_wait3A_448 = arith.constant 0 : i32
      %dma_wait3A_449 = arith.constant 0 : i32
      %dma_wait3A_450 = tpu.memref_slice %arg5[%dma_wait3A_448, %dma_wait3A_449] : memref<100000x64xf32, #tpu.memory_space<hbm>> -> memref<100000x64xf32, #tpu.memory_space<hbm>>
      %dma_wait3A_451 = tpu.memref_slice %arg14[%dma_wait3A_442] : memref<4x!tpu.dma_semaphore, #tpu.memory_space<semaphore_mem>> -> memref<1x!tpu.dma_semaphore, #tpu.memory_space<semaphore_mem>>
      %dma_wait3A_452 = tpu.memref_squeeze %dma_wait3A_451 : memref<1x!tpu.dma_semaphore, #tpu.memory_space<semaphore_mem>> -> memref<!tpu.dma_semaphore, #tpu.memory_space<semaphore_mem>>
      tpu.wait_indirect_dma semaphore(%dma_wait3A_452 : memref<!tpu.dma_semaphore, #tpu.memory_space<semaphore_mem>>) src(%dma_wait3A_450 : memref<100000x64xf32, #tpu.memory_space<hbm>>) dst(%dma_wait3A_446 : memref<200x64xf32, #tpu.memory_space<vmem>>)
      %mul3A_453 = arith.constant 200 : i32
      %mul3A_454 = arith.muli %add3A_393, %mul3A_453 : i32
      %add3A_455 = arith.addi %mul3A_2, %mul3A_454 : i32
      %dma_start3A_456 = arith.constant 2 : i32
      %dma_start3A_457 = arith.constant 2 : i32
      %dma_start3A_458 = arith.constant 0 : i32
      %dma_start3A_459 = arith.constant 0 : i32
      %dma_start3A_460 = tpu.memref_slice %arg11[%dma_start3A_456, %dma_start3A_458, %dma_start3A_459] : memref<4x200x64xf32, #tpu.memory_space<vmem>> -> memref<1x200x64xf32, #tpu.memory_space<vmem>>
      %dma_start3A_461 = tpu.memref_squeeze %dma_start3A_460 : memref<1x200x64xf32, #tpu.memory_space<vmem>> -> memref<200x64xf32, #tpu.memory_space<vmem>>
      %dma_start3A_462 = arith.constant 0 : i32
      %dma_start3A_463 = tpu.memref_slice %arg7[%add3A_455, %dma_start3A_462] : memref<204800x64xf32, #tpu.memory_space<hbm>> -> memref<200x64xf32, #tpu.memory_space<hbm>>
      %dma_start3A_464 = tpu.memref_slice %arg15[%dma_start3A_457] : memref<4x!tpu.dma_semaphore, #tpu.memory_space<semaphore_mem>> -> memref<1x!tpu.dma_semaphore, #tpu.memory_space<semaphore_mem>>
      %dma_start3A_465 = tpu.memref_squeeze %dma_start3A_464 : memref<1x!tpu.dma_semaphore, #tpu.memory_space<semaphore_mem>> -> memref<!tpu.dma_semaphore, #tpu.memory_space<semaphore_mem>>
      %dma_start3A_466 = arith.constant 0 : i32
      %dma_start3A_467 = tpu.memref_slice %arg7[%add3A_455, %dma_start3A_466] : memref<204800x64xf32, #tpu.memory_space<hbm>> -> memref<200x64xf32, #tpu.memory_space<hbm>>
      %dma_start3A_468 = arith.constant 0 : i32
      %dma_start3A_469 = arith.constant 0 : i32
      %dma_start3A_470 = tpu.memref_slice %arg11[%dma_start3A_456, %dma_start3A_468, %dma_start3A_469] : memref<4x200x64xf32, #tpu.memory_space<vmem>> -> memref<1x200x64xf32, #tpu.memory_space<vmem>>
      %dma_start3A_471 = tpu.memref_squeeze %dma_start3A_470 : memref<1x200x64xf32, #tpu.memory_space<vmem>> -> memref<200x64xf32, #tpu.memory_space<vmem>>
      tpu.enqueue_dma source(%dma_start3A_471 : memref<200x64xf32, #tpu.memory_space<vmem>>) target(%dma_start3A_467 : memref<200x64xf32, #tpu.memory_space<hbm>>) target_semaphore(%dma_start3A_465 : memref<!tpu.dma_semaphore, #tpu.memory_space<semaphore_mem>>)
      %mul3A_472 = arith.constant 4 : i32
      %mul3A_473 = arith.muli %scan3A_228, %mul3A_472 : i32
      %add3A_474 = arith.constant 3 : i32
      %add3A_475 = arith.addi %mul3A_473, %add3A_474 : i32
      %add3A_476 = arith.constant 3 : i32
      %add3A_477 = arith.addi %add3A_475, %add3A_476 : i32
      %lt3A_478 = arith.constant 32 : i32
      %lt3A_479 = arith.cmpi slt, %add3A_477, %lt3A_478 : i32
      %convert_element_type3A_480 = arith.extui %lt3A_479 : i1 to i32
      %cond3A_481 = arith.constant 0 : i32
      %cond3A_482 = arith.cmpi ne, %convert_element_type3A_480, %cond3A_481 : i32
      scf.if %cond3A_482 {
        %ge3A = arith.constant 4 : i32
        %ge3A_554 = arith.cmpi sge, %add3A_477, %ge3A : i32
        %convert_element_type3A_555 = arith.extui %ge3A_554 : i1 to i32
        %cond3A_556 = arith.constant 0 : i32
        %cond3A_557 = arith.cmpi ne, %convert_element_type3A_555, %cond3A_556 : i32
        scf.if %cond3A_557 {
          %sub3A = arith.constant 4 : i32
          %sub3A_572 = arith.subi %add3A_477, %sub3A : i32
          %mul3A_573 = arith.constant 200 : i32
          %mul3A_574 = arith.muli %sub3A_572, %mul3A_573 : i32
          %add3A_575 = arith.addi %mul3A_2, %mul3A_574 : i32
          %dma_wait3A_576 = arith.constant 2 : i32
          %dma_wait3A_577 = arith.constant 2 : i32
          %dma_wait3A_578 = arith.constant 0 : i32
          %dma_wait3A_579 = arith.constant 0 : i32
          %dma_wait3A_580 = tpu.memref_slice %arg10[%dma_wait3A_576, %dma_wait3A_578, %dma_wait3A_579] : memref<4x200x64xf32, #tpu.memory_space<vmem>> -> memref<1x200x64xf32, #tpu.memory_space<vmem>>
          %dma_wait3A_581 = tpu.memref_squeeze %dma_wait3A_580 : memref<1x200x64xf32, #tpu.memory_space<vmem>> -> memref<200x64xf32, #tpu.memory_space<vmem>>
          %dma_wait3A_582 = arith.constant 0 : i32
          %dma_wait3A_583 = tpu.memref_slice %arg6[%add3A_575, %dma_wait3A_582] : memref<204800x64xf32, #tpu.memory_space<hbm>> -> memref<200x64xf32, #tpu.memory_space<hbm>>
          %dma_wait3A_584 = tpu.memref_slice %arg13[%dma_wait3A_577] : memref<4x!tpu.dma_semaphore, #tpu.memory_space<semaphore_mem>> -> memref<1x!tpu.dma_semaphore, #tpu.memory_space<semaphore_mem>>
          %dma_wait3A_585 = tpu.memref_squeeze %dma_wait3A_584 : memref<1x!tpu.dma_semaphore, #tpu.memory_space<semaphore_mem>> -> memref<!tpu.dma_semaphore, #tpu.memory_space<semaphore_mem>>
          %dma_wait3A_586 = arith.constant 0 : i32
          %dma_wait3A_587 = tpu.memref_slice %arg6[%add3A_575, %dma_wait3A_586] : memref<204800x64xf32, #tpu.memory_space<hbm>> -> memref<200x64xf32, #tpu.memory_space<hbm>>
          %dma_wait3A_588 = arith.constant 0 : i32
          %dma_wait3A_589 = arith.constant 0 : i32
          %dma_wait3A_590 = tpu.memref_slice %arg10[%dma_wait3A_576, %dma_wait3A_588, %dma_wait3A_589] : memref<4x200x64xf32, #tpu.memory_space<vmem>> -> memref<1x200x64xf32, #tpu.memory_space<vmem>>
          %dma_wait3A_591 = tpu.memref_squeeze %dma_wait3A_590 : memref<1x200x64xf32, #tpu.memory_space<vmem>> -> memref<200x64xf32, #tpu.memory_space<vmem>>
          tpu.wait_dma2 semaphore(%dma_wait3A_585 : memref<!tpu.dma_semaphore, #tpu.memory_space<semaphore_mem>>) src(%dma_wait3A_591 : memref<200x64xf32, #tpu.memory_space<vmem>>) dst(%dma_wait3A_587 : memref<200x64xf32, #tpu.memory_space<hbm>>)
        } else {
        }
        %mul3A_558 = arith.constant 200 : i32
        %mul3A_559 = arith.muli %add3A_477, %mul3A_558 : i32
        %dma_start3A_560 = arith.constant 2 : i32
        %dma_start3A_561 = arith.constant 2 : i32
        %dma_start3A_562 = arith.constant 0 : i32
        %dma_start3A_563 = arith.constant 0 : i32
        %dma_start3A_564 = tpu.memref_slice %arg10[%dma_start3A_560, %dma_start3A_562, %dma_start3A_563] : memref<4x200x64xf32, #tpu.memory_space<vmem>> -> memref<1x200x64xf32, #tpu.memory_space<vmem>>
        %dma_start3A_565 = tpu.memref_squeeze %dma_start3A_564 : memref<1x200x64xf32, #tpu.memory_space<vmem>> -> memref<200x64xf32, #tpu.memory_space<vmem>>
        %dma_start3A_566 = tpu.memref_slice %arg8[%mul3A_559] : memref<6400xi32, #tpu.memory_space<vmem>> -> memref<200xi32, #tpu.memory_space<vmem>>
        %dma_start3A_567 = arith.constant 0 : i32
        %dma_start3A_568 = arith.constant 0 : i32
        %dma_start3A_569 = tpu.memref_slice %arg4[%dma_start3A_567, %dma_start3A_568] : memref<100000x64xf32, #tpu.memory_space<hbm>> -> memref<100000x64xf32, #tpu.memory_space<hbm>>
        %dma_start3A_570 = tpu.memref_slice %arg12[%dma_start3A_561] : memref<4x!tpu.dma_semaphore, #tpu.memory_space<semaphore_mem>> -> memref<1x!tpu.dma_semaphore, #tpu.memory_space<semaphore_mem>>
        %dma_start3A_571 = tpu.memref_squeeze %dma_start3A_570 : memref<1x!tpu.dma_semaphore, #tpu.memory_space<semaphore_mem>> -> memref<!tpu.dma_semaphore, #tpu.memory_space<semaphore_mem>>
        tpu.enqueue_indirect_dma source(%dma_start3A_569 : memref<100000x64xf32, #tpu.memory_space<hbm>>) target(%dma_start3A_565 : memref<200x64xf32, #tpu.memory_space<vmem>>) offsets(%dma_start3A_566 : memref<200xi32, #tpu.memory_space<vmem>>) semaphore(%dma_start3A_571 : memref<!tpu.dma_semaphore, #tpu.memory_space<semaphore_mem>>)
      } else {
      }
      %mul3A_483 = arith.constant 200 : i32
      %mul3A_484 = arith.muli %add3A_475, %mul3A_483 : i32
      %dma_wait3A_485 = arith.constant 3 : i32
      %dma_wait3A_486 = arith.constant 3 : i32
      %dma_wait3A_487 = arith.constant 0 : i32
      %dma_wait3A_488 = arith.constant 0 : i32
      %dma_wait3A_489 = tpu.memref_slice %arg10[%dma_wait3A_485, %dma_wait3A_487, %dma_wait3A_488] : memref<4x200x64xf32, #tpu.memory_space<vmem>> -> memref<1x200x64xf32, #tpu.memory_space<vmem>>
      %dma_wait3A_490 = tpu.memref_squeeze %dma_wait3A_489 : memref<1x200x64xf32, #tpu.memory_space<vmem>> -> memref<200x64xf32, #tpu.memory_space<vmem>>
      %dma_wait3A_491 = tpu.memref_slice %arg8[%mul3A_484] : memref<6400xi32, #tpu.memory_space<vmem>> -> memref<200xi32, #tpu.memory_space<vmem>>
      %dma_wait3A_492 = arith.constant 0 : i32
      %dma_wait3A_493 = arith.constant 0 : i32
      %dma_wait3A_494 = tpu.memref_slice %arg4[%dma_wait3A_492, %dma_wait3A_493] : memref<100000x64xf32, #tpu.memory_space<hbm>> -> memref<100000x64xf32, #tpu.memory_space<hbm>>
      %dma_wait3A_495 = tpu.memref_slice %arg12[%dma_wait3A_486] : memref<4x!tpu.dma_semaphore, #tpu.memory_space<semaphore_mem>> -> memref<1x!tpu.dma_semaphore, #tpu.memory_space<semaphore_mem>>
      %dma_wait3A_496 = tpu.memref_squeeze %dma_wait3A_495 : memref<1x!tpu.dma_semaphore, #tpu.memory_space<semaphore_mem>> -> memref<!tpu.dma_semaphore, #tpu.memory_space<semaphore_mem>>
      tpu.wait_indirect_dma semaphore(%dma_wait3A_496 : memref<!tpu.dma_semaphore, #tpu.memory_space<semaphore_mem>>) src(%dma_wait3A_494 : memref<100000x64xf32, #tpu.memory_space<hbm>>) dst(%dma_wait3A_490 : memref<200x64xf32, #tpu.memory_space<vmem>>)
      %mul3A_497 = arith.constant 200 : i32
      %mul3A_498 = arith.muli %add3A_475, %mul3A_497 : i32
      %add3A_499 = arith.addi %mul3A_2, %mul3A_498 : i32
      %dma_start3A_500 = arith.constant 3 : i32
      %dma_start3A_501 = arith.constant 3 : i32
      %dma_start3A_502 = arith.constant 0 : i32
      %dma_start3A_503 = arith.constant 0 : i32
      %dma_start3A_504 = tpu.memref_slice %arg10[%dma_start3A_500, %dma_start3A_502, %dma_start3A_503] : memref<4x200x64xf32, #tpu.memory_space<vmem>> -> memref<1x200x64xf32, #tpu.memory_space<vmem>>
      %dma_start3A_505 = tpu.memref_squeeze %dma_start3A_504 : memref<1x200x64xf32, #tpu.memory_space<vmem>> -> memref<200x64xf32, #tpu.memory_space<vmem>>
      %dma_start3A_506 = arith.constant 0 : i32
      %dma_start3A_507 = tpu.memref_slice %arg6[%add3A_499, %dma_start3A_506] : memref<204800x64xf32, #tpu.memory_space<hbm>> -> memref<200x64xf32, #tpu.memory_space<hbm>>
      %dma_start3A_508 = tpu.memref_slice %arg13[%dma_start3A_501] : memref<4x!tpu.dma_semaphore, #tpu.memory_space<semaphore_mem>> -> memref<1x!tpu.dma_semaphore, #tpu.memory_space<semaphore_mem>>
      %dma_start3A_509 = tpu.memref_squeeze %dma_start3A_508 : memref<1x!tpu.dma_semaphore, #tpu.memory_space<semaphore_mem>> -> memref<!tpu.dma_semaphore, #tpu.memory_space<semaphore_mem>>
      %dma_start3A_510 = arith.constant 0 : i32
      %dma_start3A_511 = tpu.memref_slice %arg6[%add3A_499, %dma_start3A_510] : memref<204800x64xf32, #tpu.memory_space<hbm>> -> memref<200x64xf32, #tpu.memory_space<hbm>>
      %dma_start3A_512 = arith.constant 0 : i32
      %dma_start3A_513 = arith.constant 0 : i32
      %dma_start3A_514 = tpu.memref_slice %arg10[%dma_start3A_500, %dma_start3A_512, %dma_start3A_513] : memref<4x200x64xf32, #tpu.memory_space<vmem>> -> memref<1x200x64xf32, #tpu.memory_space<vmem>>
      %dma_start3A_515 = tpu.memref_squeeze %dma_start3A_514 : memref<1x200x64xf32, #tpu.memory_space<vmem>> -> memref<200x64xf32, #tpu.memory_space<vmem>>
      tpu.enqueue_dma source(%dma_start3A_515 : memref<200x64xf32, #tpu.memory_space<vmem>>) target(%dma_start3A_511 : memref<200x64xf32, #tpu.memory_space<hbm>>) target_semaphore(%dma_start3A_509 : memref<!tpu.dma_semaphore, #tpu.memory_space<semaphore_mem>>)
      %lt3A_516 = arith.constant 32 : i32
      %lt3A_517 = arith.cmpi slt, %add3A_477, %lt3A_516 : i32
      %convert_element_type3A_518 = arith.extui %lt3A_517 : i1 to i32
      %cond3A_519 = arith.constant 0 : i32
      %cond3A_520 = arith.cmpi ne, %convert_element_type3A_518, %cond3A_519 : i32
      scf.if %cond3A_520 {
        %ge3A = arith.constant 4 : i32
        %ge3A_554 = arith.cmpi sge, %add3A_477, %ge3A : i32
        %convert_element_type3A_555 = arith.extui %ge3A_554 : i1 to i32
        %cond3A_556 = arith.constant 0 : i32
        %cond3A_557 = arith.cmpi ne, %convert_element_type3A_555, %cond3A_556 : i32
        scf.if %cond3A_557 {
          %sub3A = arith.constant 4 : i32
          %sub3A_572 = arith.subi %add3A_477, %sub3A : i32
          %mul3A_573 = arith.constant 200 : i32
          %mul3A_574 = arith.muli %sub3A_572, %mul3A_573 : i32
          %add3A_575 = arith.addi %mul3A_2, %mul3A_574 : i32
          %dma_wait3A_576 = arith.constant 2 : i32
          %dma_wait3A_577 = arith.constant 2 : i32
          %dma_wait3A_578 = arith.constant 0 : i32
          %dma_wait3A_579 = arith.constant 0 : i32
          %dma_wait3A_580 = tpu.memref_slice %arg11[%dma_wait3A_576, %dma_wait3A_578, %dma_wait3A_579] : memref<4x200x64xf32, #tpu.memory_space<vmem>> -> memref<1x200x64xf32, #tpu.memory_space<vmem>>
          %dma_wait3A_581 = tpu.memref_squeeze %dma_wait3A_580 : memref<1x200x64xf32, #tpu.memory_space<vmem>> -> memref<200x64xf32, #tpu.memory_space<vmem>>
          %dma_wait3A_582 = arith.constant 0 : i32
          %dma_wait3A_583 = tpu.memref_slice %arg7[%add3A_575, %dma_wait3A_582] : memref<204800x64xf32, #tpu.memory_space<hbm>> -> memref<200x64xf32, #tpu.memory_space<hbm>>
          %dma_wait3A_584 = tpu.memref_slice %arg15[%dma_wait3A_577] : memref<4x!tpu.dma_semaphore, #tpu.memory_space<semaphore_mem>> -> memref<1x!tpu.dma_semaphore, #tpu.memory_space<semaphore_mem>>
          %dma_wait3A_585 = tpu.memref_squeeze %dma_wait3A_584 : memref<1x!tpu.dma_semaphore, #tpu.memory_space<semaphore_mem>> -> memref<!tpu.dma_semaphore, #tpu.memory_space<semaphore_mem>>
          %dma_wait3A_586 = arith.constant 0 : i32
          %dma_wait3A_587 = tpu.memref_slice %arg7[%add3A_575, %dma_wait3A_586] : memref<204800x64xf32, #tpu.memory_space<hbm>> -> memref<200x64xf32, #tpu.memory_space<hbm>>
          %dma_wait3A_588 = arith.constant 0 : i32
          %dma_wait3A_589 = arith.constant 0 : i32
          %dma_wait3A_590 = tpu.memref_slice %arg11[%dma_wait3A_576, %dma_wait3A_588, %dma_wait3A_589] : memref<4x200x64xf32, #tpu.memory_space<vmem>> -> memref<1x200x64xf32, #tpu.memory_space<vmem>>
          %dma_wait3A_591 = tpu.memref_squeeze %dma_wait3A_590 : memref<1x200x64xf32, #tpu.memory_space<vmem>> -> memref<200x64xf32, #tpu.memory_space<vmem>>
          tpu.wait_dma2 semaphore(%dma_wait3A_585 : memref<!tpu.dma_semaphore, #tpu.memory_space<semaphore_mem>>) src(%dma_wait3A_591 : memref<200x64xf32, #tpu.memory_space<vmem>>) dst(%dma_wait3A_587 : memref<200x64xf32, #tpu.memory_space<hbm>>)
        } else {
        }
        %mul3A_558 = arith.constant 200 : i32
        %mul3A_559 = arith.muli %add3A_477, %mul3A_558 : i32
        %dma_start3A_560 = arith.constant 2 : i32
        %dma_start3A_561 = arith.constant 2 : i32
        %dma_start3A_562 = arith.constant 0 : i32
        %dma_start3A_563 = arith.constant 0 : i32
        %dma_start3A_564 = tpu.memref_slice %arg11[%dma_start3A_560, %dma_start3A_562, %dma_start3A_563] : memref<4x200x64xf32, #tpu.memory_space<vmem>> -> memref<1x200x64xf32, #tpu.memory_space<vmem>>
        %dma_start3A_565 = tpu.memref_squeeze %dma_start3A_564 : memref<1x200x64xf32, #tpu.memory_space<vmem>> -> memref<200x64xf32, #tpu.memory_space<vmem>>
        %dma_start3A_566 = tpu.memref_slice %arg9[%mul3A_559] : memref<6400xi32, #tpu.memory_space<vmem>> -> memref<200xi32, #tpu.memory_space<vmem>>
        %dma_start3A_567 = arith.constant 0 : i32
        %dma_start3A_568 = arith.constant 0 : i32
        %dma_start3A_569 = tpu.memref_slice %arg5[%dma_start3A_567, %dma_start3A_568] : memref<100000x64xf32, #tpu.memory_space<hbm>> -> memref<100000x64xf32, #tpu.memory_space<hbm>>
        %dma_start3A_570 = tpu.memref_slice %arg14[%dma_start3A_561] : memref<4x!tpu.dma_semaphore, #tpu.memory_space<semaphore_mem>> -> memref<1x!tpu.dma_semaphore, #tpu.memory_space<semaphore_mem>>
        %dma_start3A_571 = tpu.memref_squeeze %dma_start3A_570 : memref<1x!tpu.dma_semaphore, #tpu.memory_space<semaphore_mem>> -> memref<!tpu.dma_semaphore, #tpu.memory_space<semaphore_mem>>
        tpu.enqueue_indirect_dma source(%dma_start3A_569 : memref<100000x64xf32, #tpu.memory_space<hbm>>) target(%dma_start3A_565 : memref<200x64xf32, #tpu.memory_space<vmem>>) offsets(%dma_start3A_566 : memref<200xi32, #tpu.memory_space<vmem>>) semaphore(%dma_start3A_571 : memref<!tpu.dma_semaphore, #tpu.memory_space<semaphore_mem>>)
      } else {
      }
      %mul3A_521 = arith.constant 200 : i32
      %mul3A_522 = arith.muli %add3A_475, %mul3A_521 : i32
      %dma_wait3A_523 = arith.constant 3 : i32
      %dma_wait3A_524 = arith.constant 3 : i32
      %dma_wait3A_525 = arith.constant 0 : i32
      %dma_wait3A_526 = arith.constant 0 : i32
      %dma_wait3A_527 = tpu.memref_slice %arg11[%dma_wait3A_523, %dma_wait3A_525, %dma_wait3A_526] : memref<4x200x64xf32, #tpu.memory_space<vmem>> -> memref<1x200x64xf32, #tpu.memory_space<vmem>>
      %dma_wait3A_528 = tpu.memref_squeeze %dma_wait3A_527 : memref<1x200x64xf32, #tpu.memory_space<vmem>> -> memref<200x64xf32, #tpu.memory_space<vmem>>
      %dma_wait3A_529 = tpu.memref_slice %arg9[%mul3A_522] : memref<6400xi32, #tpu.memory_space<vmem>> -> memref<200xi32, #tpu.memory_space<vmem>>
      %dma_wait3A_530 = arith.constant 0 : i32
      %dma_wait3A_531 = arith.constant 0 : i32
      %dma_wait3A_532 = tpu.memref_slice %arg5[%dma_wait3A_530, %dma_wait3A_531] : memref<100000x64xf32, #tpu.memory_space<hbm>> -> memref<100000x64xf32, #tpu.memory_space<hbm>>
      %dma_wait3A_533 = tpu.memref_slice %arg14[%dma_wait3A_524] : memref<4x!tpu.dma_semaphore, #tpu.memory_space<semaphore_mem>> -> memref<1x!tpu.dma_semaphore, #tpu.memory_space<semaphore_mem>>
      %dma_wait3A_534 = tpu.memref_squeeze %dma_wait3A_533 : memref<1x!tpu.dma_semaphore, #tpu.memory_space<semaphore_mem>> -> memref<!tpu.dma_semaphore, #tpu.memory_space<semaphore_mem>>
      tpu.wait_indirect_dma semaphore(%dma_wait3A_534 : memref<!tpu.dma_semaphore, #tpu.memory_space<semaphore_mem>>) src(%dma_wait3A_532 : memref<100000x64xf32, #tpu.memory_space<hbm>>) dst(%dma_wait3A_528 : memref<200x64xf32, #tpu.memory_space<vmem>>)
      %mul3A_535 = arith.constant 200 : i32
      %mul3A_536 = arith.muli %add3A_475, %mul3A_535 : i32
      %add3A_537 = arith.addi %mul3A_2, %mul3A_536 : i32
      %dma_start3A_538 = arith.constant 3 : i32
      %dma_start3A_539 = arith.constant 3 : i32
      %dma_start3A_540 = arith.constant 0 : i32
      %dma_start3A_541 = arith.constant 0 : i32
      %dma_start3A_542 = tpu.memref_slice %arg11[%dma_start3A_538, %dma_start3A_540, %dma_start3A_541] : memref<4x200x64xf32, #tpu.memory_space<vmem>> -> memref<1x200x64xf32, #tpu.memory_space<vmem>>
      %dma_start3A_543 = tpu.memref_squeeze %dma_start3A_542 : memref<1x200x64xf32, #tpu.memory_space<vmem>> -> memref<200x64xf32, #tpu.memory_space<vmem>>
      %dma_start3A_544 = arith.constant 0 : i32
      %dma_start3A_545 = tpu.memref_slice %arg7[%add3A_537, %dma_start3A_544] : memref<204800x64xf32, #tpu.memory_space<hbm>> -> memref<200x64xf32, #tpu.memory_space<hbm>>
      %dma_start3A_546 = tpu.memref_slice %arg15[%dma_start3A_539] : memref<4x!tpu.dma_semaphore, #tpu.memory_space<semaphore_mem>> -> memref<1x!tpu.dma_semaphore, #tpu.memory_space<semaphore_mem>>
      %dma_start3A_547 = tpu.memref_squeeze %dma_start3A_546 : memref<1x!tpu.dma_semaphore, #tpu.memory_space<semaphore_mem>> -> memref<!tpu.dma_semaphore, #tpu.memory_space<semaphore_mem>>
      %dma_start3A_548 = arith.constant 0 : i32
      %dma_start3A_549 = tpu.memref_slice %arg7[%add3A_537, %dma_start3A_548] : memref<204800x64xf32, #tpu.memory_space<hbm>> -> memref<200x64xf32, #tpu.memory_space<hbm>>
      %dma_start3A_550 = arith.constant 0 : i32
      %dma_start3A_551 = arith.constant 0 : i32
      %dma_start3A_552 = tpu.memref_slice %arg11[%dma_start3A_538, %dma_start3A_550, %dma_start3A_551] : memref<4x200x64xf32, #tpu.memory_space<vmem>> -> memref<1x200x64xf32, #tpu.memory_space<vmem>>
      %dma_start3A_553 = tpu.memref_squeeze %dma_start3A_552 : memref<1x200x64xf32, #tpu.memory_space<vmem>> -> memref<200x64xf32, #tpu.memory_space<vmem>>
      tpu.enqueue_dma source(%dma_start3A_553 : memref<200x64xf32, #tpu.memory_space<vmem>>) target(%dma_start3A_549 : memref<200x64xf32, #tpu.memory_space<hbm>>) target_semaphore(%dma_start3A_547 : memref<!tpu.dma_semaphore, #tpu.memory_space<semaphore_mem>>)
    }
    %scan3A_84 = arith.constant 8 : i32
    %add3A_85 = arith.constant 5600 : i32
    %add3A_86 = arith.addi %mul3A_2, %add3A_85 : i32
    %dma_wait3A = arith.constant 0 : i32
    %dma_wait3A_87 = arith.constant 0 : i32
    %dma_wait3A_88 = arith.constant 0 : i32
    %dma_wait3A_89 = arith.constant 0 : i32
    %dma_wait3A_90 = tpu.memref_slice %arg10[%dma_wait3A, %dma_wait3A_88, %dma_wait3A_89] : memref<4x200x64xf32, #tpu.memory_space<vmem>> -> memref<1x200x64xf32, #tpu.memory_space<vmem>>
    %dma_wait3A_91 = tpu.memref_squeeze %dma_wait3A_90 : memref<1x200x64xf32, #tpu.memory_space<vmem>> -> memref<200x64xf32, #tpu.memory_space<vmem>>
    %dma_wait3A_92 = arith.constant 0 : i32
    %dma_wait3A_93 = tpu.memref_slice %arg6[%add3A_86, %dma_wait3A_92] : memref<204800x64xf32, #tpu.memory_space<hbm>> -> memref<200x64xf32, #tpu.memory_space<hbm>>
    %dma_wait3A_94 = tpu.memref_slice %arg13[%dma_wait3A_87] : memref<4x!tpu.dma_semaphore, #tpu.memory_space<semaphore_mem>> -> memref<1x!tpu.dma_semaphore, #tpu.memory_space<semaphore_mem>>
    %dma_wait3A_95 = tpu.memref_squeeze %dma_wait3A_94 : memref<1x!tpu.dma_semaphore, #tpu.memory_space<semaphore_mem>> -> memref<!tpu.dma_semaphore, #tpu.memory_space<semaphore_mem>>
    %dma_wait3A_96 = arith.constant 0 : i32
    %dma_wait3A_97 = tpu.memref_slice %arg6[%add3A_86, %dma_wait3A_96] : memref<204800x64xf32, #tpu.memory_space<hbm>> -> memref<200x64xf32, #tpu.memory_space<hbm>>
    %dma_wait3A_98 = arith.constant 0 : i32
    %dma_wait3A_99 = arith.constant 0 : i32
    %dma_wait3A_100 = tpu.memref_slice %arg10[%dma_wait3A, %dma_wait3A_98, %dma_wait3A_99] : memref<4x200x64xf32, #tpu.memory_space<vmem>> -> memref<1x200x64xf32, #tpu.memory_space<vmem>>
    %dma_wait3A_101 = tpu.memref_squeeze %dma_wait3A_100 : memref<1x200x64xf32, #tpu.memory_space<vmem>> -> memref<200x64xf32, #tpu.memory_space<vmem>>
    tpu.wait_dma2 semaphore(%dma_wait3A_95 : memref<!tpu.dma_semaphore, #tpu.memory_space<semaphore_mem>>) src(%dma_wait3A_101 : memref<200x64xf32, #tpu.memory_space<vmem>>) dst(%dma_wait3A_97 : memref<200x64xf32, #tpu.memory_space<hbm>>)
    %add3A_102 = arith.constant 5600 : i32
    %add3A_103 = arith.addi %mul3A_2, %add3A_102 : i32
    %dma_wait3A_104 = arith.constant 0 : i32
    %dma_wait3A_105 = arith.constant 0 : i32
    %dma_wait3A_106 = arith.constant 0 : i32
    %dma_wait3A_107 = arith.constant 0 : i32
    %dma_wait3A_108 = tpu.memref_slice %arg11[%dma_wait3A_104, %dma_wait3A_106, %dma_wait3A_107] : memref<4x200x64xf32, #tpu.memory_space<vmem>> -> memref<1x200x64xf32, #tpu.memory_space<vmem>>
    %dma_wait3A_109 = tpu.memref_squeeze %dma_wait3A_108 : memref<1x200x64xf32, #tpu.memory_space<vmem>> -> memref<200x64xf32, #tpu.memory_space<vmem>>
    %dma_wait3A_110 = arith.constant 0 : i32
    %dma_wait3A_111 = tpu.memref_slice %arg7[%add3A_103, %dma_wait3A_110] : memref<204800x64xf32, #tpu.memory_space<hbm>> -> memref<200x64xf32, #tpu.memory_space<hbm>>
    %dma_wait3A_112 = tpu.memref_slice %arg15[%dma_wait3A_105] : memref<4x!tpu.dma_semaphore, #tpu.memory_space<semaphore_mem>> -> memref<1x!tpu.dma_semaphore, #tpu.memory_space<semaphore_mem>>
    %dma_wait3A_113 = tpu.memref_squeeze %dma_wait3A_112 : memref<1x!tpu.dma_semaphore, #tpu.memory_space<semaphore_mem>> -> memref<!tpu.dma_semaphore, #tpu.memory_space<semaphore_mem>>
    %dma_wait3A_114 = arith.constant 0 : i32
    %dma_wait3A_115 = tpu.memref_slice %arg7[%add3A_103, %dma_wait3A_114] : memref<204800x64xf32, #tpu.memory_space<hbm>> -> memref<200x64xf32, #tpu.memory_space<hbm>>
    %dma_wait3A_116 = arith.constant 0 : i32
    %dma_wait3A_117 = arith.constant 0 : i32
    %dma_wait3A_118 = tpu.memref_slice %arg11[%dma_wait3A_104, %dma_wait3A_116, %dma_wait3A_117] : memref<4x200x64xf32, #tpu.memory_space<vmem>> -> memref<1x200x64xf32, #tpu.memory_space<vmem>>
    %dma_wait3A_119 = tpu.memref_squeeze %dma_wait3A_118 : memref<1x200x64xf32, #tpu.memory_space<vmem>> -> memref<200x64xf32, #tpu.memory_space<vmem>>
    tpu.wait_dma2 semaphore(%dma_wait3A_113 : memref<!tpu.dma_semaphore, #tpu.memory_space<semaphore_mem>>) src(%dma_wait3A_119 : memref<200x64xf32, #tpu.memory_space<vmem>>) dst(%dma_wait3A_115 : memref<200x64xf32, #tpu.memory_space<hbm>>)
    %add3A_120 = arith.constant 5800 : i32
    %add3A_121 = arith.addi %mul3A_2, %add3A_120 : i32
    %dma_wait3A_122 = arith.constant 1 : i32
    %dma_wait3A_123 = arith.constant 1 : i32
    %dma_wait3A_124 = arith.constant 0 : i32
    %dma_wait3A_125 = arith.constant 0 : i32
    %dma_wait3A_126 = tpu.memref_slice %arg10[%dma_wait3A_122, %dma_wait3A_124, %dma_wait3A_125] : memref<4x200x64xf32, #tpu.memory_space<vmem>> -> memref<1x200x64xf32, #tpu.memory_space<vmem>>
    %dma_wait3A_127 = tpu.memref_squeeze %dma_wait3A_126 : memref<1x200x64xf32, #tpu.memory_space<vmem>> -> memref<200x64xf32, #tpu.memory_space<vmem>>
    %dma_wait3A_128 = arith.constant 0 : i32
    %dma_wait3A_129 = tpu.memref_slice %arg6[%add3A_121, %dma_wait3A_128] : memref<204800x64xf32, #tpu.memory_space<hbm>> -> memref<200x64xf32, #tpu.memory_space<hbm>>
    %dma_wait3A_130 = tpu.memref_slice %arg13[%dma_wait3A_123] : memref<4x!tpu.dma_semaphore, #tpu.memory_space<semaphore_mem>> -> memref<1x!tpu.dma_semaphore, #tpu.memory_space<semaphore_mem>>
    %dma_wait3A_131 = tpu.memref_squeeze %dma_wait3A_130 : memref<1x!tpu.dma_semaphore, #tpu.memory_space<semaphore_mem>> -> memref<!tpu.dma_semaphore, #tpu.memory_space<semaphore_mem>>
    %dma_wait3A_132 = arith.constant 0 : i32
    %dma_wait3A_133 = tpu.memref_slice %arg6[%add3A_121, %dma_wait3A_132] : memref<204800x64xf32, #tpu.memory_space<hbm>> -> memref<200x64xf32, #tpu.memory_space<hbm>>
    %dma_wait3A_134 = arith.constant 0 : i32
    %dma_wait3A_135 = arith.constant 0 : i32
    %dma_wait3A_136 = tpu.memref_slice %arg10[%dma_wait3A_122, %dma_wait3A_134, %dma_wait3A_135] : memref<4x200x64xf32, #tpu.memory_space<vmem>> -> memref<1x200x64xf32, #tpu.memory_space<vmem>>
    %dma_wait3A_137 = tpu.memref_squeeze %dma_wait3A_136 : memref<1x200x64xf32, #tpu.memory_space<vmem>> -> memref<200x64xf32, #tpu.memory_space<vmem>>
    tpu.wait_dma2 semaphore(%dma_wait3A_131 : memref<!tpu.dma_semaphore, #tpu.memory_space<semaphore_mem>>) src(%dma_wait3A_137 : memref<200x64xf32, #tpu.memory_space<vmem>>) dst(%dma_wait3A_133 : memref<200x64xf32, #tpu.memory_space<hbm>>)
    %add3A_138 = arith.constant 5800 : i32
    %add3A_139 = arith.addi %mul3A_2, %add3A_138 : i32
    %dma_wait3A_140 = arith.constant 1 : i32
    %dma_wait3A_141 = arith.constant 1 : i32
    %dma_wait3A_142 = arith.constant 0 : i32
    %dma_wait3A_143 = arith.constant 0 : i32
    %dma_wait3A_144 = tpu.memref_slice %arg11[%dma_wait3A_140, %dma_wait3A_142, %dma_wait3A_143] : memref<4x200x64xf32, #tpu.memory_space<vmem>> -> memref<1x200x64xf32, #tpu.memory_space<vmem>>
    %dma_wait3A_145 = tpu.memref_squeeze %dma_wait3A_144 : memref<1x200x64xf32, #tpu.memory_space<vmem>> -> memref<200x64xf32, #tpu.memory_space<vmem>>
    %dma_wait3A_146 = arith.constant 0 : i32
    %dma_wait3A_147 = tpu.memref_slice %arg7[%add3A_139, %dma_wait3A_146] : memref<204800x64xf32, #tpu.memory_space<hbm>> -> memref<200x64xf32, #tpu.memory_space<hbm>>
    %dma_wait3A_148 = tpu.memref_slice %arg15[%dma_wait3A_141] : memref<4x!tpu.dma_semaphore, #tpu.memory_space<semaphore_mem>> -> memref<1x!tpu.dma_semaphore, #tpu.memory_space<semaphore_mem>>
    %dma_wait3A_149 = tpu.memref_squeeze %dma_wait3A_148 : memref<1x!tpu.dma_semaphore, #tpu.memory_space<semaphore_mem>> -> memref<!tpu.dma_semaphore, #tpu.memory_space<semaphore_mem>>
    %dma_wait3A_150 = arith.constant 0 : i32
    %dma_wait3A_151 = tpu.memref_slice %arg7[%add3A_139, %dma_wait3A_150] : memref<204800x64xf32, #tpu.memory_space<hbm>> -> memref<200x64xf32, #tpu.memory_space<hbm>>
    %dma_wait3A_152 = arith.constant 0 : i32
    %dma_wait3A_153 = arith.constant 0 : i32
    %dma_wait3A_154 = tpu.memref_slice %arg11[%dma_wait3A_140, %dma_wait3A_152, %dma_wait3A_153] : memref<4x200x64xf32, #tpu.memory_space<vmem>> -> memref<1x200x64xf32, #tpu.memory_space<vmem>>
    %dma_wait3A_155 = tpu.memref_squeeze %dma_wait3A_154 : memref<1x200x64xf32, #tpu.memory_space<vmem>> -> memref<200x64xf32, #tpu.memory_space<vmem>>
    tpu.wait_dma2 semaphore(%dma_wait3A_149 : memref<!tpu.dma_semaphore, #tpu.memory_space<semaphore_mem>>) src(%dma_wait3A_155 : memref<200x64xf32, #tpu.memory_space<vmem>>) dst(%dma_wait3A_151 : memref<200x64xf32, #tpu.memory_space<hbm>>)
    %add3A_156 = arith.constant 6000 : i32
    %add3A_157 = arith.addi %mul3A_2, %add3A_156 : i32
    %dma_wait3A_158 = arith.constant 2 : i32
    %dma_wait3A_159 = arith.constant 2 : i32
    %dma_wait3A_160 = arith.constant 0 : i32
    %dma_wait3A_161 = arith.constant 0 : i32
    %dma_wait3A_162 = tpu.memref_slice %arg10[%dma_wait3A_158, %dma_wait3A_160, %dma_wait3A_161] : memref<4x200x64xf32, #tpu.memory_space<vmem>> -> memref<1x200x64xf32, #tpu.memory_space<vmem>>
    %dma_wait3A_163 = tpu.memref_squeeze %dma_wait3A_162 : memref<1x200x64xf32, #tpu.memory_space<vmem>> -> memref<200x64xf32, #tpu.memory_space<vmem>>
    %dma_wait3A_164 = arith.constant 0 : i32
    %dma_wait3A_165 = tpu.memref_slice %arg6[%add3A_157, %dma_wait3A_164] : memref<204800x64xf32, #tpu.memory_space<hbm>> -> memref<200x64xf32, #tpu.memory_space<hbm>>
    %dma_wait3A_166 = tpu.memref_slice %arg13[%dma_wait3A_159] : memref<4x!tpu.dma_semaphore, #tpu.memory_space<semaphore_mem>> -> memref<1x!tpu.dma_semaphore, #tpu.memory_space<semaphore_mem>>
    %dma_wait3A_167 = tpu.memref_squeeze %dma_wait3A_166 : memref<1x!tpu.dma_semaphore, #tpu.memory_space<semaphore_mem>> -> memref<!tpu.dma_semaphore, #tpu.memory_space<semaphore_mem>>
    %dma_wait3A_168 = arith.constant 0 : i32
    %dma_wait3A_169 = tpu.memref_slice %arg6[%add3A_157, %dma_wait3A_168] : memref<204800x64xf32, #tpu.memory_space<hbm>> -> memref<200x64xf32, #tpu.memory_space<hbm>>
    %dma_wait3A_170 = arith.constant 0 : i32
    %dma_wait3A_171 = arith.constant 0 : i32
    %dma_wait3A_172 = tpu.memref_slice %arg10[%dma_wait3A_158, %dma_wait3A_170, %dma_wait3A_171] : memref<4x200x64xf32, #tpu.memory_space<vmem>> -> memref<1x200x64xf32, #tpu.memory_space<vmem>>
    %dma_wait3A_173 = tpu.memref_squeeze %dma_wait3A_172 : memref<1x200x64xf32, #tpu.memory_space<vmem>> -> memref<200x64xf32, #tpu.memory_space<vmem>>
    tpu.wait_dma2 semaphore(%dma_wait3A_167 : memref<!tpu.dma_semaphore, #tpu.memory_space<semaphore_mem>>) src(%dma_wait3A_173 : memref<200x64xf32, #tpu.memory_space<vmem>>) dst(%dma_wait3A_169 : memref<200x64xf32, #tpu.memory_space<hbm>>)
    %add3A_174 = arith.constant 6000 : i32
    %add3A_175 = arith.addi %mul3A_2, %add3A_174 : i32
    %dma_wait3A_176 = arith.constant 2 : i32
    %dma_wait3A_177 = arith.constant 2 : i32
    %dma_wait3A_178 = arith.constant 0 : i32
    %dma_wait3A_179 = arith.constant 0 : i32
    %dma_wait3A_180 = tpu.memref_slice %arg11[%dma_wait3A_176, %dma_wait3A_178, %dma_wait3A_179] : memref<4x200x64xf32, #tpu.memory_space<vmem>> -> memref<1x200x64xf32, #tpu.memory_space<vmem>>
    %dma_wait3A_181 = tpu.memref_squeeze %dma_wait3A_180 : memref<1x200x64xf32, #tpu.memory_space<vmem>> -> memref<200x64xf32, #tpu.memory_space<vmem>>
    %dma_wait3A_182 = arith.constant 0 : i32
    %dma_wait3A_183 = tpu.memref_slice %arg7[%add3A_175, %dma_wait3A_182] : memref<204800x64xf32, #tpu.memory_space<hbm>> -> memref<200x64xf32, #tpu.memory_space<hbm>>
    %dma_wait3A_184 = tpu.memref_slice %arg15[%dma_wait3A_177] : memref<4x!tpu.dma_semaphore, #tpu.memory_space<semaphore_mem>> -> memref<1x!tpu.dma_semaphore, #tpu.memory_space<semaphore_mem>>
    %dma_wait3A_185 = tpu.memref_squeeze %dma_wait3A_184 : memref<1x!tpu.dma_semaphore, #tpu.memory_space<semaphore_mem>> -> memref<!tpu.dma_semaphore, #tpu.memory_space<semaphore_mem>>
    %dma_wait3A_186 = arith.constant 0 : i32
    %dma_wait3A_187 = tpu.memref_slice %arg7[%add3A_175, %dma_wait3A_186] : memref<204800x64xf32, #tpu.memory_space<hbm>> -> memref<200x64xf32, #tpu.memory_space<hbm>>
    %dma_wait3A_188 = arith.constant 0 : i32
    %dma_wait3A_189 = arith.constant 0 : i32
    %dma_wait3A_190 = tpu.memref_slice %arg11[%dma_wait3A_176, %dma_wait3A_188, %dma_wait3A_189] : memref<4x200x64xf32, #tpu.memory_space<vmem>> -> memref<1x200x64xf32, #tpu.memory_space<vmem>>
    %dma_wait3A_191 = tpu.memref_squeeze %dma_wait3A_190 : memref<1x200x64xf32, #tpu.memory_space<vmem>> -> memref<200x64xf32, #tpu.memory_space<vmem>>
    tpu.wait_dma2 semaphore(%dma_wait3A_185 : memref<!tpu.dma_semaphore, #tpu.memory_space<semaphore_mem>>) src(%dma_wait3A_191 : memref<200x64xf32, #tpu.memory_space<vmem>>) dst(%dma_wait3A_187 : memref<200x64xf32, #tpu.memory_space<hbm>>)
    %add3A_192 = arith.constant 6200 : i32
    %add3A_193 = arith.addi %mul3A_2, %add3A_192 : i32
    %dma_wait3A_194 = arith.constant 3 : i32
    %dma_wait3A_195 = arith.constant 3 : i32
    %dma_wait3A_196 = arith.constant 0 : i32
    %dma_wait3A_197 = arith.constant 0 : i32
    %dma_wait3A_198 = tpu.memref_slice %arg10[%dma_wait3A_194, %dma_wait3A_196, %dma_wait3A_197] : memref<4x200x64xf32, #tpu.memory_space<vmem>> -> memref<1x200x64xf32, #tpu.memory_space<vmem>>
    %dma_wait3A_199 = tpu.memref_squeeze %dma_wait3A_198 : memref<1x200x64xf32, #tpu.memory_space<vmem>> -> memref<200x64xf32, #tpu.memory_space<vmem>>
    %dma_wait3A_200 = arith.constant 0 : i32
    %dma_wait3A_201 = tpu.memref_slice %arg6[%add3A_193, %dma_wait3A_200] : memref<204800x64xf32, #tpu.memory_space<hbm>> -> memref<200x64xf32, #tpu.memory_space<hbm>>
    %dma_wait3A_202 = tpu.memref_slice %arg13[%dma_wait3A_195] : memref<4x!tpu.dma_semaphore, #tpu.memory_space<semaphore_mem>> -> memref<1x!tpu.dma_semaphore, #tpu.memory_space<semaphore_mem>>
    %dma_wait3A_203 = tpu.memref_squeeze %dma_wait3A_202 : memref<1x!tpu.dma_semaphore, #tpu.memory_space<semaphore_mem>> -> memref<!tpu.dma_semaphore, #tpu.memory_space<semaphore_mem>>
    %dma_wait3A_204 = arith.constant 0 : i32
    %dma_wait3A_205 = tpu.memref_slice %arg6[%add3A_193, %dma_wait3A_204] : memref<204800x64xf32, #tpu.memory_space<hbm>> -> memref<200x64xf32, #tpu.memory_space<hbm>>
    %dma_wait3A_206 = arith.constant 0 : i32
    %dma_wait3A_207 = arith.constant 0 : i32
    %dma_wait3A_208 = tpu.memref_slice %arg10[%dma_wait3A_194, %dma_wait3A_206, %dma_wait3A_207] : memref<4x200x64xf32, #tpu.memory_space<vmem>> -> memref<1x200x64xf32, #tpu.memory_space<vmem>>
    %dma_wait3A_209 = tpu.memref_squeeze %dma_wait3A_208 : memref<1x200x64xf32, #tpu.memory_space<vmem>> -> memref<200x64xf32, #tpu.memory_space<vmem>>
    tpu.wait_dma2 semaphore(%dma_wait3A_203 : memref<!tpu.dma_semaphore, #tpu.memory_space<semaphore_mem>>) src(%dma_wait3A_209 : memref<200x64xf32, #tpu.memory_space<vmem>>) dst(%dma_wait3A_205 : memref<200x64xf32, #tpu.memory_space<hbm>>)
    %add3A_210 = arith.constant 6200 : i32
    %add3A_211 = arith.addi %mul3A_2, %add3A_210 : i32
    %dma_wait3A_212 = arith.constant 3 : i32
    %dma_wait3A_213 = arith.constant 3 : i32
    %dma_wait3A_214 = arith.constant 0 : i32
    %dma_wait3A_215 = arith.constant 0 : i32
    %dma_wait3A_216 = tpu.memref_slice %arg11[%dma_wait3A_212, %dma_wait3A_214, %dma_wait3A_215] : memref<4x200x64xf32, #tpu.memory_space<vmem>> -> memref<1x200x64xf32, #tpu.memory_space<vmem>>
    %dma_wait3A_217 = tpu.memref_squeeze %dma_wait3A_216 : memref<1x200x64xf32, #tpu.memory_space<vmem>> -> memref<200x64xf32, #tpu.memory_space<vmem>>
    %dma_wait3A_218 = arith.constant 0 : i32
    %dma_wait3A_219 = tpu.memref_slice %arg7[%add3A_211, %dma_wait3A_218] : memref<204800x64xf32, #tpu.memory_space<hbm>> -> memref<200x64xf32, #tpu.memory_space<hbm>>
    %dma_wait3A_220 = tpu.memref_slice %arg15[%dma_wait3A_213] : memref<4x!tpu.dma_semaphore, #tpu.memory_space<semaphore_mem>> -> memref<1x!tpu.dma_semaphore, #tpu.memory_space<semaphore_mem>>
    %dma_wait3A_221 = tpu.memref_squeeze %dma_wait3A_220 : memref<1x!tpu.dma_semaphore, #tpu.memory_space<semaphore_mem>> -> memref<!tpu.dma_semaphore, #tpu.memory_space<semaphore_mem>>
    %dma_wait3A_222 = arith.constant 0 : i32
    %dma_wait3A_223 = tpu.memref_slice %arg7[%add3A_211, %dma_wait3A_222] : memref<204800x64xf32, #tpu.memory_space<hbm>> -> memref<200x64xf32, #tpu.memory_space<hbm>>
    %dma_wait3A_224 = arith.constant 0 : i32
    %dma_wait3A_225 = arith.constant 0 : i32
    %dma_wait3A_226 = tpu.memref_slice %arg11[%dma_wait3A_212, %dma_wait3A_224, %dma_wait3A_225] : memref<4x200x64xf32, #tpu.memory_space<vmem>> -> memref<1x200x64xf32, #tpu.memory_space<vmem>>
    %dma_wait3A_227 = tpu.memref_squeeze %dma_wait3A_226 : memref<1x200x64xf32, #tpu.memory_space<vmem>> -> memref<200x64xf32, #tpu.memory_space<vmem>>
    tpu.wait_dma2 semaphore(%dma_wait3A_221 : memref<!tpu.dma_semaphore, #tpu.memory_space<semaphore_mem>>) src(%dma_wait3A_227 : memref<200x64xf32, #tpu.memory_space<vmem>>) dst(%dma_wait3A_223 : memref<200x64xf32, #tpu.memory_space<hbm>>)
    return
  }
}

</mosaic_0001>

<sc_bundles>
// kernel: kernel.3.cloned.1.call-start
scs
__scs_entry_jumppad:
0x0: {  	(pc) =	sbr.rel $0x88, $3  }
0x1: {  	(tag) =	ssettag $0x0;
	lr =	simm.s32 $0x1  }
0x2: {  	[smem:$0x3F9D] =	sst lr;
	_ =	strace $0xD0000000  }
0x3: {  	_ = 	snop  }
0x4: {  	_ = 	snop  }
0x5: {  	_ = 	snop  }
0x6: {  	_ = 	snop  }
0x7: {  	_ = 	snop  }
__scs_overlays_trampoline_lowered:
0x8: {  	[smem:$0x3FAC] =	sst s0  }
0x9: {  	[smem:$0x3FAD] =	sst s1  }
0xa: {  	[smem:$0x3FAE] =	sst s2  }
0xb: {  	[smem:$0x3FAF] =	sst s3  }
0xc: {  	[smem:$0x3FB0] =	sst s4  }
0xd: {  	[smem:$0x3FB1] =	sst s5  }
0xe: {  	[smem:$0x3FB2] =	sst s6  }
0xf: {  	[smem:$0x3FB3] =	sst s7  }
0x10: {  	[smem:$0x3FB4] =	sst s8  }
0x11: {  	[smem:$0x3FB5] =	sst s9;
	s0 =	simm.s32 @!p0 $0x0  }
0x12: {  	s1 =	sld [smem:$0x3F9B];
	s0 =	simm.s32 @p0 $0x1  }
0x13: {  	[smem:$0x3FB6] =	sst s0;
	s0 =	simm.s32 @!p1 $0x0  }
0x14: {  	s2 =	sld [smem:$0x3F9A];
	s0 =	simm.s32 @p1 $0x1  }
0x15: {  	[smem:$0x3FB7] =	sst s0;
	s0 =	simm.s32 @!p2 $0x0  }
0x16: {  	s3 =	sld [smem:$0x3FDB];
	s0 =	simm.s32 @p2 $0x1  }
0x17: {  	s4 =	simm.s32 $0x1BF5;
	[smem:$0x3FB9] =	sst s0  }
0x18: {  	s0 =	sld [smem:$0x3F9C];
	_ =	swait.ge [sflag:s4], $0x0  }
0x19: {  	s7 =	sld [smem:$0x3F9D]  }
0x1a: {  	s8 =	sadd.s32 $0xFFFFE003, lr  }
0x1b: {  	s9 =	sadd.s32 $0xFFFFFEF7, lr;
	s5 =	simm.s32 $0xFFFFFFFF;
	p2 =	slt.u32 s8, $0xFFFFF086  }
0x1c: {  	p1 =	slt.u32 s9, $0xF7A;
	s5 =	simm.s32 @!p2 $0x0  }
0x1d: {  	s5 =	simm.s32 @p1 $0x1;
	p0 =	seq.s32 s7, s2  }
0x1e: {  	s7 =	smul.u32 @!p0 $0xF7A, s2;
	p2 =	seq.s32 @!p0 s5, $0x0  }
0x1f: {  	s9 =	smul.u32 $0xF7A, s1;
	s8 =	simm.s32 @!p0 $0x1BF5;
	p2 =	por !p2, p0  }
0x20: {  	[sflag:s8] =	ssyncset.s32 @!p0 $0xFFFFF086;
	s6 =	sadd.s32 @!p0 s3, s7;
	s7 =	simm.s32 @!p0 $0x108  }
0x21: {  	s3 =	sadd.s32 s3, s9;
	s6 =	sadd.s32 @!p0 $0x88, s6;
	s7 =	simm.s32 @p2 $0x1082  }
0x22: {  	[simem:s7], [sflag:s8] =	dma.local @!p0 [hbm:s6], $0xF7A  }
0x23: {  	s9 =	sor.u32 $0xD0000000, s2;
	s6 =	simm.s32 $0x108;
	_ =	swait.ge @!p0 [sflag:s8], $0x0  }
0x24: {  	s3 =	sadd.s32 $0x88, s3;
	s6 =	simm.s32 @!p1 $0x1082;
	[sflag:s4] =	ssyncset.s32 $0xFFFFF086  }
0x25: {  	[simem:s6], [sflag:s4] =	dma.local [hbm:s3], $0xF7A  }
0x26: {  	[smem:$0x3F9D] =	sst s1;
	(tag) =	ssettag s2;
	_ =	strace s9  }
0x27: {  	s1 =	sld [smem:$0x3FAD]  }
0x28: {  	s2 =	sld [smem:$0x3FAE]  }
0x29: {  	s4 =	sld [smem:$0x3FB0]  }
0x2a: {  	p0 =	seq.s32 s5, $0x0;
	s5 =	sld [smem:$0x3FB1]  }
0x2b: {  	s6 =	sld [smem:$0x3FB2]  }
0x2c: {  	s7 =	sld [smem:$0x3FB3]  }
0x2d: {  	s3 =	simm.s32 $0x108;
	s8 =	sld [smem:$0x3FB4]  }
0x2e: {  	s3 =	simm.s32 @!p0 $0x1082;
	s9 =	sld [smem:$0x3FB5]  }
0x2f: {  	lr =	sadd.s32 s0, s3;
	s0 =	sld [smem:$0x3FAC]  }
0x30: {  	s3 =	sld [smem:$0x3FAF]  }
0x31: {  	[smem:$0x3FB8] =	sst s10  }
0x32: {  	s10 =	sld [smem:$0x3FB6];
	_ =	sdelay $0x3  }
0x33: {  	p0 =	seq.s32 s10, $0x1;
	s10 =	sld [smem:$0x3FB8];
	_ =	sdelay $0x3  }
0x34: {  	[smem:$0x3FB8] =	sst s10  }
0x35: {  	s10 =	sld [smem:$0x3FB7];
	_ =	sdelay $0x3  }
0x36: {  	p1 =	seq.s32 s10, $0x1;
	s10 =	sld [smem:$0x3FB8];
	_ =	sdelay $0x3  }
0x37: {  	[smem:$0x3FB8] =	sst s10  }
0x38: {  	s10 =	sld [smem:$0x3FB9]  }
0x39: {  	_ = 	snop;
	(pc) =	sbr.ind lr, $3  }
0x3a: {  	_ = 	snop  }
0x3b: {  	_ = 	snop  }
0x3c: {  	p2 =	seq.s32 s10, $0x1;
	s10 =	sld [smem:$0x3FB8]  }
0x3d: {  	_ =	shalt  }
0x3e: {  	_ =	shalt  }
0x3f: {  	_ =	shalt  }
0x40: {  	_ =	shalt  }
0x41: {  	_ =	shalt  }
0x42: {  	_ =	shalt  }
0x43: {  	_ =	shalt  }
0x44: {  	_ =	shalt  }
0x45: {  	_ =	shalt  }
0x46: {  	_ =	shalt  }
0x47: {  	_ =	shalt  }
0x48: {  	_ =	shalt  }
0x49: {  	_ =	shalt  }
0x4a: {  	_ =	shalt  }
0x4b: {  	_ =	shalt  }
0x4c: {  	_ =	shalt  }
0x4d: {  	_ =	shalt  }
0x4e: {  	_ =	shalt  }
0x4f: {  	_ =	shalt  }
0x50: {  	_ =	shalt  }
0x51: {  	_ =	shalt  }
0x52: {  	_ =	shalt  }
0x53: {  	_ =	shalt  }
0x54: {  	_ =	shalt  }
0x55: {  	_ =	shalt  }
0x56: {  	_ =	shalt  }
0x57: {  	_ =	shalt  }
0x58: {  	_ =	shalt  }
0x59: {  	_ =	shalt  }
0x5a: {  	_ =	shalt  }
0x5b: {  	_ =	shalt  }
0x5c: {  	_ =	shalt  }
0x5d: {  	_ =	shalt  }
0x5e: {  	_ =	shalt  }
0x5f: {  	_ =	shalt  }
0x60: {  	_ =	shalt  }
0x61: {  	_ =	shalt  }
0x62: {  	_ =	shalt  }
0x63: {  	_ =	shalt  }
0x64: {  	_ =	shalt  }
0x65: {  	_ =	shalt  }
0x66: {  	_ =	shalt  }
0x67: {  	_ =	shalt  }
0x68: {  	_ =	shalt  }
0x69: {  	_ =	shalt  }
0x6a: {  	_ =	shalt  }
0x6b: {  	_ =	shalt  }
0x6c: {  	_ =	shalt  }
0x6d: {  	_ =	shalt  }
0x6e: {  	_ =	shalt  }
0x6f: {  	_ =	shalt  }
0x70: {  	_ =	shalt  }
0x71: {  	_ =	shalt  }
0x72: {  	_ =	shalt  }
0x73: {  	_ =	shalt  }
0x74: {  	_ =	shalt  }
0x75: {  	_ =	shalt  }
0x76: {  	_ =	shalt  }
0x77: {  	_ =	shalt  }
0x78: {  	_ =	shalt  }
0x79: {  	_ =	shalt  }
0x7a: {  	_ =	shalt  }
0x7b: {  	_ =	shalt  }
0x7c: {  	_ =	shalt  }
0x7d: {  	_ =	shalt  }
0x7e: {  	_ =	shalt  }
0x7f: {  	_ =	shalt  }
0x80: {  	_ =	shalt  }
0x81: {  	_ =	shalt  }
0x82: {  	_ =	shalt  }
0x83: {  	_ =	shalt  }
0x84: {  	_ =	shalt  }
0x85: {  	_ =	shalt  }
0x86: {  	_ =	shalt  }
0x87: {  	_ =	shalt  }
.Lfunc_end0:
.L_simem_size_0:
called_computation.2_lowered:
.L_overlay_start_0:
0x88: {  	s2 =	sld [smem:$0x3FD9]  }
0x89: {  	s3 =	sld [smem:$0x3FFE];
	_ =	sdelay $0x1  }
0x8a: {  	s1 =	srdreg.scid  }
0x8b: {  	s0 =	sand.u32 $0x1, s1  }
0x8c: {  	s14 =	sshll.u32 s0, $0xA;
	s2 =	sadd.s32 s3, s2  }
0x8d: {  	s2 =	sadd.s32 s2, s14  }
0x8e: {  	[smem:$0x3FC4] =	sst s2  }
0x8f: {  	_ = 	snop  }
0x90: {  	s2 =	sld [smem:$0x3FD0];
	_ =	sdelay $0x2  }
0x91: {  	s15 =	simm.s32 $0xB;
	s4 =	simm.s32 $0x10  }
0x92: {  	[smem:s4], [sflag:s15] =	dma.local [hbm:s2], $0x1  }
0x93: {  	_ =	swait.eq [sflag:s15], $0x1  }
0x94: {  	[sflag:s15] =	ssyncset.done $0x0  }
0x95: {  	s16 =	sld [smem:$0x10];
	[sflag:s15] =	ssyncadd.s32 $0xFFFFFFFF  }
0x96: {  	s17 =	sld [smem:$0x11];
	(tm) =	ssettm $0x1  }
0x97: {  	s18 =	sld [smem:$0x3FFB];
	_ =	sdelay $0x3  }
0x98: {  	_ =	strace s18  }
0x99: {  	s4 =	sld [smem:$0x3FFC];
	_ =	sdelay $0x3  }
0x9a: {  	_ =	strace s4  }
0x9b: {  	s4 =	sld [smem:$0x3FFD];
	_ =	sdelay $0x3  }
0x9c: {  	_ =	strace s4  }
0x9d: {  	_ =	strace $0x8FFFFFFF  }
0x9e: {  	s19 =	sld [smem:$0x3FDB];
	_ =	sdelay $0x1  }
0x9f: {  	s5 =	simm.s32 $_scs_section_size  }
0xa0: {  	s6 =	simm.s32 $_size__tile_overlayer_lowered;
	s7 =	simm.s32 $_tile_overlayer_lowered  }
0xa1: {  	s22 =	simm.s32 $0x1BFF;
	s21 =	sshll.u32 s7, $0x1;
	s4 =	sadd.s32 s5, s19  }
0xa2: {  	s8 =	simm.s32 $0x0;
	s20 =	sshll.u32 s6, $0x1;
	s6 =	sadd.s32 s21, s4  }
0xa3: {  	[timem:s8], [sflag:s22] =	dma.local [hbm:s6], s20  }
0xa4: {  	_ =	swait.ge [sflag:s22], s20  }
0xa5: {  	s5 =	ssub.s32 $0x0, s20;
	[sflag:s22] =	ssyncset.done $0x0  }
0xa6: {  	[sflag:s22] =	ssyncadd.s32 s5;
	_ =	sdelay $0x1  }
0xa7: {  	s23 =	simm.s32 $0x1B8B  }
0xa8: {  	_ =	swait.ge [sflag:s23], $0x1  }
0xa9: {  	[sflag:s23] =	ssyncset.done $0x0  }
0xaa: {  	s25 =	simm.s32 $0x1B8E;
	s24 =	sld [smem:$0x3FFE];
	[sflag:s23] =	ssyncadd.s32 $0xFFFFFFFF  }
0xab: {  	s26 =	simm.s32 $execute0_lowered;
	[smem:$0x3FD2] =	sst s25  }
0xac: {  	s6 =	sshll.u32 s26, $0x1;
	_ =	strace $0x80000046;
	[dreg:$0x1] =	wrdreg $0xFFFFFFFF  }
0xad: {  	s28 =	simm.s32 $_size_execute0_lowered;
	s4 =	sadd.s32 s4, s6;
	[dreg:$0x0] =	wrdreg $0x0  }
0xae: {  	s6 =	sshll.u32 s28, $0x1;
	[dreg:$0x2] =	wrdreg s4  }
0xaf: {  	[dreg:$0x3] =	wrdreg s6  }
0xb0: {  	[dreg:$0x4] =	wrdreg $0xC0  }
0xb1: {  	_ =	task [dreg:s8], $0x5FFFF  }
0xb2: {  	[dreg:$0x1] =	wrdreg $0xFFFFFFFF  }
0xb3: {  	[dreg:$0x0] =	wrdreg $0x60  }
0xb4: {  	[dreg:$0x2] =	wrdreg s24  }
0xb5: {  	[dreg:$0x3] =	wrdreg s16  }
0xb6: {  	[dreg:$0x4] =	wrdreg s17  }
0xb7: {  	[dreg:$0x5] =	wrdreg $0x9  }
0xb8: {  	_ =	task.clear_ibuf [dreg:s8], $0x6FFFF;
	_ =	strace $0x90000046  }
0xb9: {  	s29 =	simm.s32 $0x9;
	_ =	strace $0x80000048  }
0xba: {  	_ =	swait.ge [sflag:s29], $0x1  }
0xbb: {  	[sflag:s29] =	ssyncadd.s32 $0xFFFFFFFF  }
0xbc: {  	_ =	strace $0x90000048  }
0xbd: {  	_ =	sfence  }
0xbe: {  	s30 =	sld [smem:$0x0];
	_ =	sdelay $0x2  }
0xbf: {  	s31 =	sshll.u32 s1, $0xD;
	s1 =	sshrl.u32 s1, $0x2  }
0xc0: {  	s3 =	sand.u32 $0x4000, s31;
	s1 =	sadd.s32 s1, s30  }
0xc1: {  	s0 =	sor.u32 s3, s0;
	s1 =	sshll.u32 s1, $0x11  }
0xc2: {  	s0 =	sor.u32 s1, s0  }
0xc3: {  	s0 =	sadd.s32 $0x8F2B, s0  }
0xc4: {  	[sflag:s0] =	ssyncadd.remote.s32 $0x1  }
0xc5: {  	_ =	sfence.sel $0xFFFF  }
0xc6: {  	[dreg:$0x0] =	wrdreg $0xFFFFFFFF;
	(pc) =	sbr.abs _section_cstart, $3  }
0xc7: {  	[dreg:$0x1] =	wrdreg $0xFFFFFFFF  }
0xc8: {  	_ =	task.clear_ibuf [dreg:s8], $0x2FFFF;
	_ =	strace $0x9FFFFFFF  }
0xc9: {  	(tm) =	ssettm $0x7FFFFFFF  }
tec
execute0_lowered:
.L_overlay_start_1:
0x0: {  	(tag) =	ssettag $0x1  }
0x1: {  	s0 =	rddreg [dreg:$0x0]  }
0x2: {  	s1 =	rddreg [dreg:$0x1];
	s2 =	srdreg.scid  }
0x3: {  	s13 =	stileid.u32;
	s6 =	rddreg [dreg:$0x2];
	s28 =	simm.s32 $0xB  }
0x4: {  	s29 =	simm.s32 $0x4;
	s30 =	simm.s32 $0xC;
	s3 =	smul.u32 $0x3200, s13  }
0x5: {  	s5 =	sand.u32 $0x1, s2;
	s15 =	sshll.u32 s13, $0x1;
	s19 =	smul.u32 $0x19000, s13  }
0x6: {  	s2 =	simm.s32 $0x0;
	s4 =	sor.u32 s5, s15;
	s7 =	smul.u32 $0x1900, s5  }
0x7: {  	[smem:$0x7FF] =	sst s2;
	s9 =	ssub.s32 $0x2, s5;
	s5 =	smul.u32 $0xC800, s5  }
0x8: {  	s4 =	smul.u32 $0x1900, s4;
	_ =	strace $0x80000047;
	s11 =	sshrl.u32 s9, $0x1  }
0x9: {  	s22 =	sadd.s32 s19, s6;
	s24 =	sadd.s32 s19, s1;
	s3 =	sadd.s32 s7, s3  }
0xa: {  	s16 =	ssub.s32 s9, s11;
	s23 =	sadd.s32 s5, s22;
	s5 =	sadd.s32 s5, s24  }
0xb: {  	s4 =	sshrl.u32 s4, $0x3;
	s7 =	sshll.u32 s3, $0x3;
	[dreg:$0x8] =	wrdreg s23  }
0xc: {  	s3 =	sadd.s32 $0xF400, s0;
	[dreg:$0x9] =	wrdreg s5;
	s8 =	sadd.s32 s4, s0  }
0xd: {  	s10 =	sadd.s32 $0xC80, s7;
	s4 =	sadd.s32 $0xD2A00, s0;
	s0 =	smax.u32 s16, $0x1  }
0xe: {  	s13 =	simm.s32 $0xFA00;
	s12 =	sadd.s32 s10, s1;
	[dreg:$0xe] =	wrdreg s0  }
0xf: {  	s18 =	sor.u32 $0x640, s7;
	s17 =	sadd.s32 s10, s6;
	[dreg:$0x4] =	wrdreg s12  }
0x10: {  	s15 =	simm.s32 $0x6400;
	s20 =	sadd.s32 s18, s1;
	[dreg:$0x5] =	wrdreg s17  }
0x11: {  	s19 =	simm.s32 $0x9600;
	s21 =	sadd.s32 s18, s6;
	[dreg:$0x6] =	wrdreg s20  }
0x12: {  	s22 =	simm.s32 $0x19000;
	s25 =	sadd.s32 $0x2C00, s8;
	[dreg:$0x7] =	wrdreg s21  }
0x13: {  	s7 =	sadd.s32 $0x12C0, s7;
	s26 =	sadd.s32 $0x9000, s8;
	[dreg:$0xc] =	wrdreg s25  }
0x14: {  	s24 =	simm.s32 $0x2;
	s1 =	sadd.s32 s7, s1;
	[dreg:$0xd] =	wrdreg s26  }
0x15: {  	s23 =	simm.s32 $0x9;
	s31 =	sadd.s32 s7, s6;
	[dreg:$0xa] =	wrdreg s1  }
0x16: {  	s5 =	simm.s32 $0x0;
	s10 =	simm.s32 $0xC8;
	[dreg:$0xb] =	wrdreg s31  }
0x17: {  	s20 =	simm.s32 $0xC800;
	s21 =	simm.s32 $0x1;
	s25 =	simm.s32 $0xA  }
0x18: {  	s26 =	simm.s32 $0x3;
	s12 =	simm.s32 $0x3200;
	s17 =	simm.s32 $0x12C00  }
.LBB2_1:
0x19: {  	[dreg:$0xf] =	wrdreg s5  }
0x1a: {  	s0 =	rddreg [dreg:$0xc];
	s1 =	simm.s32 $0x11  }
0x1b: {  	[tilespmem:s2], [sflag:$0x11] =	stream.linear.gather [hbm4b:s0+s2], $0x1900, $0x38;
	[tilespmem:$0x1C200] =	vst v63  }
0x1c: {  	_ =	swait.ge [sflag:s1], $0x1900  }
0x1d: {  	[sflag:s1] =	ssyncset.done $0x0  }
0x1e: {  	s9 =	simm.s32 $0x1900;
	s8 =	rddreg [dreg:$0xd];
	[sflag:s1] =	ssyncadd.s32 $0xFFFFE700  }
0x1f: {  	[tilespmem:s9], [sflag:$0x11] =	stream.linear.gather [hbm4b:s8+s2], $0x1900, $0x38;
	[tilespmem:$0x1C200] =	vst v63  }
0x20: {  	_ =	swait.ge [sflag:s1], $0x1900  }
0x21: {  	[sflag:s1] =	ssyncset.done $0x0  }
0x22: {  	s6 =	simm.s32 $0x3200;
	[sflag:s1] =	ssyncadd.s32 $0xFFFFE700  }
0x23: {  	[tilespmem:s6], [sflag:$0x1] =	stream.indirect.gather [hbm4b:s3+s10], $0x40, s2, s10, $0xb8;
	[tilespmem:$0x1C200] =	vst v63  }
0x24: {  	s7 =	simm.s32 $0xFA00  }
0x25: {  	[tilespmem:s7], [sflag:$0x9] =	stream.indirect.gather [hbm4b:s4+s10], $0x40, s9, s10, $0xb8;
	[tilespmem:$0x1C200] =	vst v63  }
0x26: {  	s8 =	simm.s32 $0x6400  }
0x27: {  	[tilespmem:s8], [sflag:$0x2] =	stream.indirect.gather [hbm4b:s3+s10], $0x40, s10, s10, $0xb8;
	[tilespmem:$0x1C200] =	vst v63  }
0x28: {  	s11 =	simm.s32 $0x19C8;
	p0 =	por $0x1, $0x1;
	s9 =	simm.s32 $0x12C00  }
0x29: {  	[tilespmem:s9], [sflag:$0xA] =	stream.indirect.gather [hbm4b:s4+s10], $0x40, s11, s10, $0xb8;
	[tilespmem:$0x1C200] =	vst v63  }
0x2a: {  	s14 =	simm.s32 $0x190;
	p0 =	por p0, p0;
	s11 =	simm.s32 $0x9600  }
0x2b: {  	[tilespmem:s11], [sflag:$0x3] =	stream.indirect.gather [hbm4b:s3+s10], $0x40, s14, s10, $0xb8;
	[tilespmem:$0x1C200] =	vst v63  }
0x2c: {  	s16 =	simm.s32 $0x1A90;
	s0 =	simm.s32 @!p0 $0x8;
	s14 =	simm.s32 $0x15E00  }
0x2d: {  	[tilespmem:s14], [sflag:$0xB] =	stream.indirect.gather [hbm4b:s4+s10], $0x40, s16, s10, $0xb8;
	[tilespmem:$0x1C200] =	vst v63  }
0x2e: {  	_ =	swait.ge @!p0 [sflag:s0], $0x3200  }
0x2f: {  	[sflag:s0] =	ssyncset.done @!p0 $0x0  }
0x30: {  	s18 =	simm.s32 $0x258;
	[sflag:s0] =	ssyncadd.s32 @!p0 $0xFFFFCE00  }
0x31: {  	[tilespmem:s20], [sflag:$0x4] =	stream.indirect.gather [hbm4b:s3+s10], $0x40, s18, s10, $0xb8;
	[tilespmem:$0x1C200] =	vst v63  }
0x32: {  	_ =	swait.ge [sflag:s21], $0x3200  }
0x33: {  	s1 =	rddreg [dreg:$0x9];
	[sflag:s21] =	ssyncset.done $0x0  }
0x34: {  	[sflag:s21] =	ssyncadd.s32 $0xFFFFCE00;
	s0 =	sadd.s32 $0x0, s1;
	s1 =	simm.s32 @!p0 $0x10  }
0x35: {  	[hbm4b:s0+s2] =	stream.linear.scatter [tilespmem:s6], [sflag:$0x5], $0x3200, $0x38;
	[tilespmem:$0x1C200] =	vst v63  }
0x36: {  	_ =	swait.ge @!p0 [sflag:s1], $0x3200  }
0x37: {  	[sflag:s1] =	ssyncset.done @!p0 $0x0  }
0x38: {  	s5 =	simm.s32 $0x1B58;
	[sflag:s1] =	ssyncadd.s32 @!p0 $0xFFFFCE00  }
0x39: {  	[tilespmem:s22], [sflag:$0xC] =	stream.indirect.gather [hbm4b:s4+s10], $0x40, s5, s10, $0xb8;
	[tilespmem:$0x1C200] =	vst v63  }
0x3a: {  	_ =	swait.ge [sflag:s23], $0x3200  }
0x3b: {  	p0 =	por $0x0, $0x0;
	s6 =	rddreg [dreg:$0x8];
	[sflag:s23] =	ssyncset.done $0x0  }
0x3c: {  	s1 =	simm.s32 @!p0 $0x5;
	[sflag:s23] =	ssyncadd.s32 $0xFFFFCE00;
	s0 =	sadd.s32 $0x0, s6  }
0x3d: {  	[hbm4b:s0+s2] =	stream.linear.scatter [tilespmem:s7], [sflag:$0xD], $0x3200, $0x38;
	[tilespmem:$0x1C200] =	vst v63  }
0x3e: {  	_ =	swait.ge @!p0 [sflag:s1], $0x3200  }
0x3f: {  	s5 =	simm.s32 @!p0 $0x320;
	[sflag:s1] =	ssyncset.done @!p0 $0x0  }
0x40: {  	s0 =	simm.s32 @!p0 $0xC8;
	s7 =	simm.s32 @!p0 $0x3200;
	[sflag:s1] =	ssyncadd.s32 @!p0 $0xFFFFCE00  }
0x41: {  	[tilespmem:s7], [sflag:$0x1] =	stream.indirect.gather @!p0 [hbm4b:s3+s0], $0x40, s5, s0, $0xb8;
	[tilespmem:$0x1C200] =	vst v63  }
0x42: {  	_ =	swait.ge [sflag:s24], $0x3200  }
0x43: {  	s7 =	rddreg [dreg:$0x6];
	[sflag:s24] =	ssyncset.done $0x0  }
0x44: {  	s5 =	simm.s32 @!p0 $0xD;
	[sflag:s24] =	ssyncadd.s32 $0xFFFFCE00;
	s1 =	sadd.s32 $0x0, s7  }
0x45: {  	[hbm4b:s1+s2] =	stream.linear.scatter [tilespmem:s8], [sflag:$0x6], $0x3200, $0x38;
	[tilespmem:$0x1C200] =	vst v63  }
0x46: {  	_ =	swait.ge @!p0 [sflag:s5], $0x3200  }
0x47: {  	[sflag:s5] =	ssyncset.done @!p0 $0x0  }
0x48: {  	s7 =	simm.s32 @!p0 $0xFA00;
	s1 =	simm.s32 @!p0 $0x1C20;
	[sflag:s5] =	ssyncadd.s32 @!p0 $0xFFFFCE00  }
0x49: {  	[tilespmem:s7], [sflag:$0x9] =	stream.indirect.gather @!p0 [hbm4b:s4+s0], $0x40, s1, s0, $0xb8;
	[tilespmem:$0x1C200] =	vst v63  }
0x4a: {  	_ =	swait.ge [sflag:s25], $0x3200  }
0x4b: {  	s8 =	rddreg [dreg:$0x7];
	[sflag:s25] =	ssyncset.done $0x0  }
0x4c: {  	s5 =	simm.s32 @!p0 $0x6;
	[sflag:s25] =	ssyncadd.s32 $0xFFFFCE00;
	s1 =	sadd.s32 $0x0, s8  }
0x4d: {  	[hbm4b:s1+s2] =	stream.linear.scatter [tilespmem:s9], [sflag:$0xE], $0x3200, $0x38;
	[tilespmem:$0x1C200] =	vst v63  }
0x4e: {  	_ =	swait.ge @!p0 [sflag:s5], $0x3200  }
0x4f: {  	[sflag:s5] =	ssyncset.done @!p0 $0x0  }
0x50: {  	s7 =	simm.s32 @!p0 $0x6400;
	s1 =	simm.s32 @!p0 $0x3E8;
	[sflag:s5] =	ssyncadd.s32 @!p0 $0xFFFFCE00  }
0x51: {  	[tilespmem:s7], [sflag:$0x2] =	stream.indirect.gather @!p0 [hbm4b:s3+s0], $0x40, s1, s0, $0xb8;
	[tilespmem:$0x1C200] =	vst v63  }
0x52: {  	_ =	swait.ge [sflag:s26], $0x3200  }
0x53: {  	s9 =	rddreg [dreg:$0x4];
	[sflag:s26] =	ssyncset.done $0x0  }
0x54: {  	s5 =	simm.s32 @!p0 $0xE;
	[sflag:s26] =	ssyncadd.s32 $0xFFFFCE00;
	s1 =	sadd.s32 $0x0, s9  }
0x55: {  	[hbm4b:s1+s2] =	stream.linear.scatter [tilespmem:s11], [sflag:$0x7], $0x3200, $0x38;
	[tilespmem:$0x1C200] =	vst v63  }
0x56: {  	_ =	swait.ge @!p0 [sflag:s5], $0x3200  }
0x57: {  	[sflag:s5] =	ssyncset.done @!p0 $0x0  }
0x58: {  	s7 =	simm.s32 @!p0 $0x12C00;
	s1 =	simm.s32 @!p0 $0x1CE8;
	[sflag:s5] =	ssyncadd.s32 @!p0 $0xFFFFCE00  }
0x59: {  	[tilespmem:s7], [sflag:$0xA] =	stream.indirect.gather @!p0 [hbm4b:s4+s0], $0x40, s1, s0, $0xb8;
	[tilespmem:$0x1C200] =	vst v63  }
0x5a: {  	_ =	swait.ge [sflag:s28], $0x3200  }
0x5b: {  	s16 =	rddreg [dreg:$0x5];
	[sflag:s28] =	ssyncset.done $0x0  }
0x5c: {  	s5 =	simm.s32 @!p0 $0x7;
	[sflag:s28] =	ssyncadd.s32 $0xFFFFCE00;
	s1 =	sadd.s32 $0x0, s16  }
0x5d: {  	[hbm4b:s1+s2] =	stream.linear.scatter [tilespmem:s14], [sflag:$0xF], $0x3200, $0x38;
	[tilespmem:$0x1C200] =	vst v63  }
0x5e: {  	_ =	swait.ge @!p0 [sflag:s5], $0x3200  }
0x5f: {  	[sflag:s5] =	ssyncset.done @!p0 $0x0  }
0x60: {  	s7 =	simm.s32 @!p0 $0x9600;
	s1 =	simm.s32 @!p0 $0x4B0;
	[sflag:s5] =	ssyncadd.s32 @!p0 $0xFFFFCE00  }
0x61: {  	[tilespmem:s7], [sflag:$0x3] =	stream.indirect.gather @!p0 [hbm4b:s3+s0], $0x40, s1, s0, $0xb8;
	[tilespmem:$0x1C200] =	vst v63  }
0x62: {  	_ =	swait.ge [sflag:s29], $0x3200  }
0x63: {  	s18 =	rddreg [dreg:$0xa];
	[sflag:s29] =	ssyncset.done $0x0  }
0x64: {  	s5 =	simm.s32 @!p0 $0xF;
	[sflag:s29] =	ssyncadd.s32 $0xFFFFCE00;
	s1 =	sadd.s32 $0x0, s18  }
0x65: {  	[hbm4b:s1+s2] =	stream.linear.scatter [tilespmem:s20], [sflag:$0x8], $0x3200, $0x38;
	[tilespmem:$0x1C200] =	vst v63  }
0x66: {  	_ =	swait.ge @!p0 [sflag:s5], $0x3200  }
0x67: {  	p6 =	por $0x0, $0x0;
	s31 =	simm.s32 $0xC80;
	[sflag:s5] =	ssyncset.done @!p0 $0x0  }
0x68: {  	s7 =	simm.s32 @!p0 $0x15E00;
	s1 =	simm.s32 @!p0 $0x1DB0;
	[sflag:s5] =	ssyncadd.s32 @!p0 $0xFFFFCE00  }
0x69: {  	[tilespmem:s7], [sflag:$0xB] =	stream.indirect.gather @!p0 [hbm4b:s4+s0], $0x40, s1, s0, $0xb8;
	[tilespmem:$0x1C200] =	vst v63  }
0x6a: {  	s7 =	simm.s32 $0x1900;
	s1 =	simm.s32 $0x3200;
	_ =	swait.ge [sflag:s30], $0x3200  }
0x6b: {  	p0 =	por p6, p6;
	s0 =	simm.s32 $0x0;
	[sflag:s30] =	ssyncset.done $0x0  }
0x6c: {  	s5 =	simm.s32 @!p0 $0x8;
	s14 =	rddreg [dreg:$0xb];
	[sflag:s30] =	ssyncadd.s32 $0xFFFFCE00  }
.LBB2_2:
0x6d: {  	s14 =	sadd.s32 s0, s14  }
0x6e: {  	[hbm4b:s14+s2] =	stream.linear.scatter [tilespmem:s22], [sflag:$0x10], $0x3200, $0x38;
	[tilespmem:$0x1C200] =	vst v63  }
0x6f: {  	_ =	swait.ge @!p0 [sflag:s5], $0x3200  }
0x70: {  	s11 =	sshra.s32 s31, $0x2;
	[sflag:s5] =	ssyncset.done @!p0 $0x0  }
0x71: {  	s18 =	sadd.s32 $0x258, s11;
	[sflag:s5] =	ssyncadd.s32 @!p0 $0xFFFFCE00  }
0x72: {  	[tilespmem:s20], [sflag:$0x4] =	stream.indirect.gather [hbm4b:s3+s10], $0x40, s18, s10, $0xb8;
	[tilespmem:$0x1C200] =	vst v63  }
0x73: {  	_ =	swait.ge [sflag:s21], $0x3200  }
0x74: {  	s0 =	smov.u32 s7;
	s6 =	rddreg [dreg:$0x9];
	[sflag:s21] =	ssyncset.done $0x0  }
0x75: {  	s16 =	simm.s32 @!p0 $0x10;
	[sflag:s21] =	ssyncadd.s32 $0xFFFFCE00;
	s5 =	sadd.s32 s0, s6  }
0x76: {  	[hbm4b:s5+s2] =	stream.linear.scatter [tilespmem:s12], [sflag:$0x5], $0x3200, $0x38;
	[tilespmem:$0x1C200] =	vst v63  }
0x77: {  	_ =	swait.ge @!p0 [sflag:s16], $0x3200  }
0x78: {  	[sflag:s16] =	ssyncset.done @!p0 $0x0  }
0x79: {  	s8 =	sadd.s32 $0x1B58, s11;
	[sflag:s16] =	ssyncadd.s32 @!p0 $0xFFFFCE00  }
0x7a: {  	[tilespmem:s22], [sflag:$0xC] =	stream.indirect.gather [hbm4b:s4+s10], $0x40, s8, s10, $0xb8;
	[tilespmem:$0x1C200] =	vst v63  }
0x7b: {  	p2 =	seq.s32 s1, $0x0;
	_ =	swait.ge [sflag:s23], $0x3200  }
0x7c: {  	p0 =	por p2, p2;
	s9 =	rddreg [dreg:$0x8];
	[sflag:s23] =	ssyncset.done $0x0  }
0x7d: {  	p2 =	seq.s32 s0, $0xAF00;
	[sflag:s23] =	ssyncadd.s32 $0xFFFFCE00;
	s5 =	sadd.s32 s0, s9  }
0x7e: {  	[hbm4b:s5+s2] =	stream.linear.scatter [tilespmem:s13], [sflag:$0xD], $0x3200, $0x38;
	[tilespmem:$0x1C200] =	vst v63  }
0x7f: {  	s5 =	simm.s32 @!p2 $0x5  }
0x80: {  	_ =	swait.ge @!p2 [sflag:s5], $0x3200  }
0x81: {  	s16 =	sshra.s32 @!p2 s31, $0x2;
	s14 =	simm.s32 @!p2 $0xC8;
	[sflag:s5] =	ssyncset.done @!p2 $0x0  }
0x82: {  	s8 =	simm.s32 @!p2 $0x3200;
	s18 =	sadd.s32 @!p2 $0x320, s16;
	[sflag:s5] =	ssyncadd.s32 @!p2 $0xFFFFCE00  }
0x83: {  	[tilespmem:s8], [sflag:$0x1] =	stream.indirect.gather @!p2 [hbm4b:s3+s14], $0x40, s18, s14, $0xb8;
	[tilespmem:$0x1C200] =	vst v63  }
0x84: {  	_ =	swait.ge [sflag:s24], $0x3200  }
0x85: {  	s11 =	rddreg [dreg:$0x6];
	[sflag:s24] =	ssyncset.done $0x0  }
0x86: {  	[sflag:s24] =	ssyncadd.s32 $0xFFFFCE00;
	s8 =	sadd.s32 s0, s11;
	s11 =	simm.s32 @!p2 $0xD  }
0x87: {  	[hbm4b:s8+s2] =	stream.linear.scatter [tilespmem:s15], [sflag:$0x6], $0x3200, $0x38;
	[tilespmem:$0x1C200] =	vst v63  }
0x88: {  	_ =	swait.ge @!p2 [sflag:s11], $0x3200  }
0x89: {  	[sflag:s11] =	ssyncset.done @!p2 $0x0  }
0x8a: {  	s9 =	sadd.s32 @!p2 $0x1C20, s16;
	s8 =	simm.s32 @!p2 $0xFA00;
	[sflag:s11] =	ssyncadd.s32 @!p2 $0xFFFFCE00  }
0x8b: {  	[tilespmem:s8], [sflag:$0x9] =	stream.indirect.gather @!p2 [hbm4b:s4+s14], $0x40, s9, s14, $0xb8;
	[tilespmem:$0x1C200] =	vst v63  }
0x8c: {  	_ =	swait.ge [sflag:s25], $0x3200  }
0x8d: {  	s11 =	rddreg [dreg:$0x7];
	[sflag:s25] =	ssyncset.done $0x0  }
0x8e: {  	s9 =	simm.s32 @!p2 $0x6;
	[sflag:s25] =	ssyncadd.s32 $0xFFFFCE00;
	s8 =	sadd.s32 s0, s11  }
0x8f: {  	[hbm4b:s8+s2] =	stream.linear.scatter [tilespmem:s17], [sflag:$0xE], $0x3200, $0x38;
	[tilespmem:$0x1C200] =	vst v63  }
0x90: {  	_ =	swait.ge @!p2 [sflag:s9], $0x3200  }
0x91: {  	[sflag:s9] =	ssyncset.done @!p2 $0x0  }
0x92: {  	s6 =	sadd.s32 @!p2 $0x3E8, s16;
	s8 =	simm.s32 @!p2 $0x6400;
	[sflag:s9] =	ssyncadd.s32 @!p2 $0xFFFFCE00  }
0x93: {  	[tilespmem:s8], [sflag:$0x2] =	stream.indirect.gather @!p2 [hbm4b:s3+s14], $0x40, s6, s14, $0xb8;
	[tilespmem:$0x1C200] =	vst v63  }
0x94: {  	_ =	swait.ge [sflag:s26], $0x3200  }
0x95: {  	s8 =	rddreg [dreg:$0x4];
	[sflag:s26] =	ssyncset.done $0x0  }
0x96: {  	[sflag:s26] =	ssyncadd.s32 $0xFFFFCE00;
	s6 =	sadd.s32 s0, s8;
	s8 =	simm.s32 @!p2 $0xE  }
0x97: {  	[hbm4b:s6+s2] =	stream.linear.scatter [tilespmem:s19], [sflag:$0x7], $0x3200, $0x38;
	[tilespmem:$0x1C200] =	vst v63  }
0x98: {  	_ =	swait.ge @!p2 [sflag:s8], $0x3200  }
0x99: {  	[sflag:s8] =	ssyncset.done @!p2 $0x0  }
0x9a: {  	s5 =	sadd.s32 @!p2 $0x1CE8, s16;
	s6 =	simm.s32 @!p2 $0x12C00;
	[sflag:s8] =	ssyncadd.s32 @!p2 $0xFFFFCE00  }
0x9b: {  	[tilespmem:s6], [sflag:$0xA] =	stream.indirect.gather @!p2 [hbm4b:s4+s14], $0x40, s5, s14, $0xb8;
	[tilespmem:$0x1C200] =	vst v63  }
0x9c: {  	_ =	swait.ge [sflag:s28], $0x3200  }
0x9d: {  	s11 =	simm.s32 $0x15E00;
	s9 =	rddreg [dreg:$0x5];
	[sflag:s28] =	ssyncset.done $0x0  }
0x9e: {  	s6 =	simm.s32 @!p2 $0x7;
	[sflag:s28] =	ssyncadd.s32 $0xFFFFCE00;
	s5 =	sadd.s32 s0, s9  }
0x9f: {  	[hbm4b:s5+s2] =	stream.linear.scatter [tilespmem:s11], [sflag:$0xF], $0x3200, $0x38;
	[tilespmem:$0x1C200] =	vst v63  }
0xa0: {  	_ =	swait.ge @!p2 [sflag:s6], $0x3200  }
0xa1: {  	[sflag:s6] =	ssyncset.done @!p2 $0x0  }
0xa2: {  	s18 =	sadd.s32 @!p2 $0x4B0, s16;
	s5 =	simm.s32 @!p2 $0x9600;
	[sflag:s6] =	ssyncadd.s32 @!p2 $0xFFFFCE00  }
0xa3: {  	[tilespmem:s5], [sflag:$0x3] =	stream.indirect.gather @!p2 [hbm4b:s3+s14], $0x40, s18, s14, $0xb8;
	[tilespmem:$0x1C200] =	vst v63  }
0xa4: {  	_ =	swait.ge [sflag:s29], $0x3200  }
0xa5: {  	s18 =	rddreg [dreg:$0xa];
	[sflag:s29] =	ssyncset.done $0x0  }
0xa6: {  	s6 =	simm.s32 @!p2 $0xF;
	[sflag:s29] =	ssyncadd.s32 $0xFFFFCE00;
	s5 =	sadd.s32 s0, s18  }
0xa7: {  	[hbm4b:s5+s2] =	stream.linear.scatter [tilespmem:s20], [sflag:$0x8], $0x3200, $0x38;
	[tilespmem:$0x1C200] =	vst v63  }
0xa8: {  	s7 =	smov.u32 s1;
	s1 =	sadd.s32 $0x1900, s1;
	_ =	swait.ge @!p2 [sflag:s6], $0x3200  }
0xa9: {  	p1 =	sne.s32 s1, $0xC800;
	s16 =	sadd.s32 @!p2 $0x1DB0, s16;
	[sflag:s6] =	ssyncset.done @!p2 $0x0  }
.Ltmp0:
0xaa: {  	s5 =	simm.s32 @!p2 $0x15E00;
	[sflag:s6] =	ssyncadd.s32 @!p2 $0xFFFFCE00;
	(pc) =	sbr.rel @p1 .LBB2_2-.Ltmp0, $4  }
0xab: {  	[tilespmem:s5], [sflag:$0xB] =	stream.indirect.gather @!p2 [hbm4b:s4+s14], $0x40, s16, s14, $0xb8;
	[tilespmem:$0x1C200] =	vst v63  }
0xac: {  	_ =	swait.ge [sflag:s30], $0x3200  }
0xad: {  	s31 =	sadd.s32 $0xC80, s31;
	[sflag:s30] =	ssyncset.done $0x0  }
0xae: {  	s5 =	simm.s32 @!p0 $0x8;
	s14 =	rddreg [dreg:$0xb];
	[sflag:s30] =	ssyncadd.s32 $0xFFFFCE00  }
0xaf: {  	s0 =	sadd.s32 s0, s14  }
0xb0: {  	[hbm4b:s0+s2] =	stream.linear.scatter [tilespmem:s22], [sflag:$0x10], $0x3200, $0x38;
	[tilespmem:$0x1C200] =	vst v63  }
0xb1: {  	_ =	swait.ge @!p0 [sflag:s5], $0x3200  }
0xb2: {  	s6 =	sshra.s32 s31, $0x2;
	[sflag:s5] =	ssyncset.done @!p0 $0x0  }
0xb3: {  	s1 =	sadd.s32 $0x258, s6;
	[sflag:s5] =	ssyncadd.s32 @!p0 $0xFFFFCE00  }
0xb4: {  	[tilespmem:s20], [sflag:$0x4] =	stream.indirect.gather [hbm4b:s3+s10], $0x40, s1, s10, $0xb8;
	[tilespmem:$0x1C200] =	vst v63  }
0xb5: {  	_ =	swait.ge [sflag:s21], $0x3200  }
0xb6: {  	s8 =	rddreg [dreg:$0x9];
	[sflag:s21] =	ssyncset.done $0x0  }
0xb7: {  	s5 =	simm.s32 @!p0 $0x10;
	[sflag:s21] =	ssyncadd.s32 $0xFFFFCE00;
	s1 =	sadd.s32 s7, s8  }
0xb8: {  	[hbm4b:s1+s2] =	stream.linear.scatter [tilespmem:s12], [sflag:$0x5], $0x3200, $0x38;
	[tilespmem:$0x1C200] =	vst v63  }
0xb9: {  	_ =	swait.ge @!p0 [sflag:s5], $0x3200  }
0xba: {  	[sflag:s5] =	ssyncset.done @!p0 $0x0  }
0xbb: {  	s0 =	sadd.s32 $0x1B58, s6;
	[sflag:s5] =	ssyncadd.s32 @!p0 $0xFFFFCE00  }
0xbc: {  	[tilespmem:s22], [sflag:$0xC] =	stream.indirect.gather [hbm4b:s4+s10], $0x40, s0, s10, $0xb8;
	[tilespmem:$0x1C200] =	vst v63  }
0xbd: {  	_ =	swait.ge [sflag:s23], $0x3200  }
0xbe: {  	p0 =	seq.s32 s7, $0xAF00;
	s9 =	rddreg [dreg:$0x8];
	[sflag:s23] =	ssyncset.done $0x0  }
0xbf: {  	s5 =	simm.s32 @!p0 $0x5;
	[sflag:s23] =	ssyncadd.s32 $0xFFFFCE00;
	s0 =	sadd.s32 s7, s9  }
0xc0: {  	[hbm4b:s0+s2] =	stream.linear.scatter [tilespmem:s13], [sflag:$0xD], $0x3200, $0x38;
	[tilespmem:$0x1C200] =	vst v63  }
0xc1: {  	_ =	swait.ge @!p0 [sflag:s5], $0x3200  }
0xc2: {  	s1 =	simm.s32 @!p0 $0xC8;
	s0 =	sshra.s32 @!p0 s31, $0x2;
	[sflag:s5] =	ssyncset.done @!p0 $0x0  }
0xc3: {  	s6 =	sadd.s32 @!p0 $0x320, s0;
	[sflag:s5] =	ssyncadd.s32 @!p0 $0xFFFFCE00;
	s5 =	simm.s32 @!p0 $0x3200  }
0xc4: {  	[tilespmem:s5], [sflag:$0x1] =	stream.indirect.gather @!p0 [hbm4b:s3+s1], $0x40, s6, s1, $0xb8;
	[tilespmem:$0x1C200] =	vst v63  }
0xc5: {  	_ =	swait.ge [sflag:s24], $0x3200  }
0xc6: {  	s11 =	rddreg [dreg:$0x6];
	[sflag:s24] =	ssyncset.done $0x0  }
0xc7: {  	s6 =	simm.s32 @!p0 $0xD;
	[sflag:s24] =	ssyncadd.s32 $0xFFFFCE00;
	s5 =	sadd.s32 s7, s11  }
0xc8: {  	[hbm4b:s5+s2] =	stream.linear.scatter [tilespmem:s15], [sflag:$0x6], $0x3200, $0x38;
	[tilespmem:$0x1C200] =	vst v63  }
0xc9: {  	_ =	swait.ge @!p0 [sflag:s6], $0x3200  }
0xca: {  	[sflag:s6] =	ssyncset.done @!p0 $0x0  }
0xcb: {  	s5 =	sadd.s32 @!p0 $0x1C20, s0;
	[sflag:s6] =	ssyncadd.s32 @!p0 $0xFFFFCE00;
	s6 =	simm.s32 @!p0 $0xFA00  }
0xcc: {  	[tilespmem:s6], [sflag:$0x9] =	stream.indirect.gather @!p0 [hbm4b:s4+s1], $0x40, s5, s1, $0xb8;
	[tilespmem:$0x1C200] =	vst v63  }
0xcd: {  	_ =	swait.ge [sflag:s25], $0x3200  }
0xce: {  	s14 =	rddreg [dreg:$0x7];
	[sflag:s25] =	ssyncset.done $0x0  }
0xcf: {  	s6 =	simm.s32 @!p0 $0x6;
	[sflag:s25] =	ssyncadd.s32 $0xFFFFCE00;
	s5 =	sadd.s32 s7, s14  }
0xd0: {  	[hbm4b:s5+s2] =	stream.linear.scatter [tilespmem:s17], [sflag:$0xE], $0x3200, $0x38;
	[tilespmem:$0x1C200] =	vst v63  }
0xd1: {  	_ =	swait.ge @!p0 [sflag:s6], $0x3200  }
0xd2: {  	[sflag:s6] =	ssyncset.done @!p0 $0x0  }
0xd3: {  	s5 =	sadd.s32 @!p0 $0x3E8, s0;
	[sflag:s6] =	ssyncadd.s32 @!p0 $0xFFFFCE00;
	s6 =	simm.s32 @!p0 $0x6400  }
0xd4: {  	[tilespmem:s6], [sflag:$0x2] =	stream.indirect.gather @!p0 [hbm4b:s3+s1], $0x40, s5, s1, $0xb8;
	[tilespmem:$0x1C200] =	vst v63  }
0xd5: {  	_ =	swait.ge [sflag:s26], $0x3200  }
0xd6: {  	s16 =	rddreg [dreg:$0x4];
	[sflag:s26] =	ssyncset.done $0x0  }
0xd7: {  	s6 =	simm.s32 @!p0 $0xE;
	[sflag:s26] =	ssyncadd.s32 $0xFFFFCE00;
	s5 =	sadd.s32 s7, s16  }
0xd8: {  	[hbm4b:s5+s2] =	stream.linear.scatter [tilespmem:s19], [sflag:$0x7], $0x3200, $0x38;
	[tilespmem:$0x1C200] =	vst v63  }
0xd9: {  	_ =	swait.ge @!p0 [sflag:s6], $0x3200  }
0xda: {  	[sflag:s6] =	ssyncset.done @!p0 $0x0  }
0xdb: {  	s5 =	sadd.s32 @!p0 $0x1CE8, s0;
	[sflag:s6] =	ssyncadd.s32 @!p0 $0xFFFFCE00;
	s6 =	simm.s32 @!p0 $0x12C00  }
0xdc: {  	[tilespmem:s6], [sflag:$0xA] =	stream.indirect.gather @!p0 [hbm4b:s4+s1], $0x40, s5, s1, $0xb8;
	[tilespmem:$0x1C200] =	vst v63  }
0xdd: {  	_ =	swait.ge [sflag:s28], $0x3200  }
0xde: {  	s8 =	simm.s32 $0x15E00;
	s18 =	rddreg [dreg:$0x5];
	[sflag:s28] =	ssyncset.done $0x0  }
0xdf: {  	s6 =	simm.s32 @!p0 $0x7;
	[sflag:s28] =	ssyncadd.s32 $0xFFFFCE00;
	s5 =	sadd.s32 s7, s18  }
0xe0: {  	[hbm4b:s5+s2] =	stream.linear.scatter [tilespmem:s8], [sflag:$0xF], $0x3200, $0x38;
	[tilespmem:$0x1C200] =	vst v63  }
0xe1: {  	_ =	swait.ge @!p0 [sflag:s6], $0x3200  }
0xe2: {  	[sflag:s6] =	ssyncset.done @!p0 $0x0  }
0xe3: {  	s5 =	sadd.s32 @!p0 $0x4B0, s0;
	[sflag:s6] =	ssyncadd.s32 @!p0 $0xFFFFCE00;
	s6 =	simm.s32 @!p0 $0x9600  }
0xe4: {  	[tilespmem:s6], [sflag:$0x3] =	stream.indirect.gather @!p0 [hbm4b:s3+s1], $0x40, s5, s1, $0xb8;
	[tilespmem:$0x1C200] =	vst v63  }
0xe5: {  	_ =	swait.ge [sflag:s29], $0x3200  }
0xe6: {  	s31 =	rddreg [dreg:$0xa];
	[sflag:s29] =	ssyncset.done $0x0  }
0xe7: {  	[sflag:s29] =	ssyncadd.s32 $0xFFFFCE00;
	s5 =	sadd.s32 s7, s31  }
0xe8: {  	[hbm4b:s5+s2] =	stream.linear.scatter [tilespmem:s20], [sflag:$0x8], $0x3200, $0x38;
	[tilespmem:$0x1C200] =	vst v63  }
0xe9: {  	s5 =	simm.s32 @!p0 $0xF  }
0xea: {  	_ =	swait.ge @!p0 [sflag:s5], $0x3200  }
0xeb: {  	[sflag:s5] =	ssyncset.done @!p0 $0x0  }
0xec: {  	s0 =	sadd.s32 @!p0 $0x1DB0, s0;
	[sflag:s5] =	ssyncadd.s32 @!p0 $0xFFFFCE00;
	s5 =	simm.s32 @!p0 $0x15E00  }
0xed: {  	[tilespmem:s5], [sflag:$0xB] =	stream.indirect.gather @!p0 [hbm4b:s4+s1], $0x40, s0, s1, $0xb8;
	[tilespmem:$0x1C200] =	vst v63  }
0xee: {  	_ =	swait.ge [sflag:s30], $0x3200  }
0xef: {  	s1 =	rddreg [dreg:$0xb];
	[sflag:s30] =	ssyncset.done $0x0  }
0xf0: {  	s5 =	simm.s32 $0x5;
	s0 =	sadd.s32 s7, s1;
	[sflag:s30] =	ssyncadd.s32 $0xFFFFCE00  }
0xf1: {  	[hbm4b:s0+s2] =	stream.linear.scatter [tilespmem:s22], [sflag:$0x10], $0x3200, $0x38;
	[tilespmem:$0x1C200] =	vst v63  }
0xf2: {  	_ =	swait.ge [sflag:s5], $0x3200  }
0xf3: {  	[sflag:s5] =	ssyncset.done $0x0  }
0xf4: {  	s6 =	simm.s32 $0xD;
	[sflag:s5] =	ssyncadd.s32 $0xFFFFCE00  }
0xf5: {  	_ =	swait.ge [sflag:s6], $0x3200  }
0xf6: {  	[sflag:s6] =	ssyncset.done $0x0  }
0xf7: {  	s7 =	simm.s32 $0x6;
	[sflag:s6] =	ssyncadd.s32 $0xFFFFCE00  }
0xf8: {  	_ =	swait.ge [sflag:s7], $0x3200  }
0xf9: {  	[sflag:s7] =	ssyncset.done $0x0  }
0xfa: {  	s8 =	simm.s32 $0xE;
	[sflag:s7] =	ssyncadd.s32 $0xFFFFCE00  }
0xfb: {  	_ =	swait.ge [sflag:s8], $0x3200  }
0xfc: {  	[sflag:s8] =	ssyncset.done $0x0  }
0xfd: {  	s9 =	simm.s32 $0x7;
	[sflag:s8] =	ssyncadd.s32 $0xFFFFCE00  }
0xfe: {  	_ =	swait.ge [sflag:s9], $0x3200  }
0xff: {  	[sflag:s9] =	ssyncset.done $0x0  }
0x100: {  	s11 =	simm.s32 $0xF;
	[sflag:s9] =	ssyncadd.s32 $0xFFFFCE00  }
0x101: {  	_ =	swait.ge [sflag:s11], $0x3200  }
0x102: {  	[sflag:s11] =	ssyncset.done $0x0  }
0x103: {  	s14 =	simm.s32 $0x8;
	[sflag:s11] =	ssyncadd.s32 $0xFFFFCE00  }
0x104: {  	_ =	swait.ge [sflag:s14], $0x3200  }
0x105: {  	[sflag:s14] =	ssyncset.done $0x0  }
0x106: {  	s16 =	simm.s32 $0x10;
	[sflag:s14] =	ssyncadd.s32 $0xFFFFCE00  }
0x107: {  	_ =	swait.ge [sflag:s16], $0x3200  }
0x108: {  	s18 =	rddreg [dreg:$0xf]  }
0x109: {  	s31 =	rddreg [dreg:$0xe];
	s5 =	sadd.s32 $0x1, s18  }
0x10a: {  	p0 =	sne.s32 s5, s31  }
.Ltmp1:
0x10b: {  	_ = 	snop;
	(pc) =	sbr.rel @p0 .LBB2_1-.Ltmp1, $3  }
0x10c: {  	_ =	sdelay $0x1  }
0x10d: {  	[sflag:s16] =	ssyncset.done $0x0  }
0x10e: {  	[sflag:s16] =	ssyncadd.s32 $0xFFFFCE00  }
0x10f: {  	_ =	sfence.sel $0x180000  }
0x110: {  	[bflag:$0x0] =	sbarrier.arrive $0xFFFF  }
0x111: {  	_ =	strace $0x90000047  }
0x112: {  	s0 =	stileid.u32;
	[bflag:$0x2] =	sbarrier.arrive $0xFFFF  }
0x113: {  	p0 =	sne.s32 s0, $0x0;
	s0 =	rddreg [dreg:$0x3]  }
0x114: {  	s0 =	sadd.s32 @!p0 $0x100000, s0  }
0x115: {  	[sflag:s0] =	ssyncadd.tile.s32 @!p0 $0x1;
	_ =	shalt  }
.Lfunc_end2:
_tile_overlayer_lowered:
.L_overlay_start_2:
0x116: {  	(tag) =	ssettag $0x2  }
0x117: {  	s0 =	rddreg [dreg:$0x0];
	s2 =	stileid.u32  }
0x118: {  	s1 =	rddreg [dreg:$0x1];
	p0 =	sne.s32 s2, $0x0  }
0x119: {  	s3 =	rddreg [dreg:$0x2];
	[bflag:$0x3] =	sbarrier.arrive $0xFFFF;
	s2 =	simm.s32 @!p0 $0x1C11  }
0x11a: {  	[timem:s3], [sflag:s2] =	dma.local @!p0 [hbm:s0], s1  }
0x11b: {  	s0 =	simm.s32 @!p0 $0x11  }
0x11c: {  	_ =	swait.ge @!p0 [sflag:s0], s1  }
0x11d: {  	s1 =	ssub.s32 @!p0 $0x0, s1;
	[sflag:s0] =	ssyncset.done @!p0 $0x0  }
0x11e: {  	[sflag:s0] =	ssyncadd.s32 @!p0 s1  }
0x11f: {  	[bflag:$0x3] =	sbarrier.arrive $0xFFFF  }
0x120: {  	_ =	shalt  }

// kernel: sparse-core-data-format-call.1.cloned.1.call-start
scs
called_computation.1_lowered:
.L_overlay_start_0:
0x0: {  	s2 =	sld [smem:$0x3FD9]  }
0x1: {  	s3 =	sld [smem:$0x3FFE];
	_ =	sdelay $0x1  }
0x2: {  	s1 =	srdreg.scid  }
0x3: {  	s0 =	sand.u32 $0x1, s1  }
0x4: {  	s16 =	sshll.u32 s0, $0xA;
	s2 =	sadd.s32 s3, s2  }
0x5: {  	s2 =	sadd.s32 s2, s16  }
0x6: {  	[smem:$0x3FC4] =	sst s2  }
0x7: {  	_ = 	snop  }
0x8: {  	s2 =	sld [smem:$0x3FD0];
	_ =	sdelay $0x2  }
0x9: {  	s17 =	simm.s32 $0xB;
	s4 =	simm.s32 $0x10  }
0xa: {  	[smem:s4], [sflag:s17] =	dma.local [hbm:s2], $0x1  }
0xb: {  	_ =	swait.eq [sflag:s17], $0x1  }
0xc: {  	[sflag:s17] =	ssyncset.done $0x0  }
0xd: {  	[sflag:s17] =	ssyncadd.s32 $0xFFFFFFFF  }
0xe: {  	s18 =	sld [smem:$0x10];
	(tm) =	ssettm $0x1  }
0xf: {  	s19 =	sld [smem:$0x3FFB];
	_ =	sdelay $0x3  }
0x10: {  	_ =	strace s19  }
0x11: {  	s2 =	sld [smem:$0x3FFC];
	_ =	sdelay $0x3  }
0x12: {  	_ =	strace s2  }
0x13: {  	s2 =	sld [smem:$0x3FFD];
	_ =	sdelay $0x3  }
0x14: {  	_ =	strace s2  }
0x15: {  	_ =	strace $0x8FFFFFFF  }
0x16: {  	s20 =	sld [smem:$0x3FDB];
	_ =	sdelay $0x1  }
0x17: {  	s21 =	simm.s32 $_scs_section_size  }
0x18: {  	s5 =	simm.s32 $_size__tile_overlayer_lowered;
	s6 =	simm.s32 $_tile_overlayer_lowered  }
0x19: {  	s7 =	simm.s32 $0x1BFF;
	s22 =	sshll.u32 s6, $0x1;
	s4 =	sadd.s32 s21, s20  }
0x1a: {  	s23 =	simm.s32 $0x0;
	s5 =	sshll.u32 s5, $0x1;
	s6 =	sadd.s32 s22, s4  }
0x1b: {  	[timem:s23], [sflag:s7] =	dma.local [hbm:s6], s5  }
0x1c: {  	_ =	swait.ge [sflag:s7], s5  }
0x1d: {  	s5 =	ssub.s32 $0x0, s5;
	[sflag:s7] =	ssyncset.done $0x0  }
0x1e: {  	[sflag:s7] =	ssyncadd.s32 s5;
	_ =	sdelay $0x1  }
0x1f: {  	s24 =	simm.s32 $0x1B8B  }
0x20: {  	_ =	swait.ge [sflag:s24], $0x1  }
0x21: {  	[sflag:s24] =	ssyncset.done $0x0  }
0x22: {  	[sflag:s24] =	ssyncadd.s32 $0xFFFFFFFF  }
0x23: {  	s5 =	sld [smem:$0x0]  }
0x24: {  	s6 =	sand.u32 $0xFFFFFFFE, s1  }
0x25: {  	p0 =	sne.s32 s1, s6  }
0x26: {  	s6 =	sshll.u32 @p0 s6, $0xE  }
0x27: {  	s6 =	sadd.s32 @p0 $0x11B8D, s6;
	s7 =	sshll.u32 @p0 s5, $0x11  }
0x28: {  	s6 =	sor.u32 @p0 s7, s6  }
0x29: {  	[sflag:s6] =	ssyncadd.remote.s32 @p0 $0x1;
	_ =	sdelay $0x1  }
0x2a: {  	s6 =	simm.s32 @p0 $0x1B8D  }
0x2b: {  	_ =	swait.eq @p0 [sflag:s6], $0x1  }
0x2c: {  	[sflag:s6] =	ssyncadd.s32 @p0 $0xFFFFFFFF  }
0x2d: {  	s7 =	sshll.u32 @!p0 s1, $0xE  }
0x2e: {  	s7 =	sor.u32 @!p0 $0x4000, s7;
	s6 =	simm.s32 @!p0 $0x1B8D  }
0x2f: {  	s5 =	sshll.u32 @!p0 s5, $0x11;
	s7 =	sadd.s32 @!p0 $0x11B8D, s7;
	_ =	swait.eq @!p0 [sflag:s6], $0x1  }
0x30: {  	s5 =	sor.u32 @!p0 s5, s7;
	[sflag:s6] =	ssyncadd.s32 @!p0 $0xFFFFFFFF  }
0x31: {  	s26 =	simm.s32 $0x1B8E;
	s25 =	sld [smem:$0x3FFE];
	[sflag:s5] =	ssyncadd.remote.s32 @!p0 $0x1  }
0x32: {  	s27 =	simm.s32 $execute0_lowered;
	[smem:$0x3FD2] =	sst s26  }
0x33: {  	s6 =	sshll.u32 s27, $0x1;
	_ =	strace $0x8000004C;
	[dreg:$0x1] =	wrdreg $0xFFFFFFFF  }
0x34: {  	s28 =	simm.s32 $_size_execute0_lowered;
	s4 =	sadd.s32 s4, s6;
	[dreg:$0x0] =	wrdreg $0x0  }
0x35: {  	s6 =	sshll.u32 s28, $0x1;
	[dreg:$0x2] =	wrdreg s4  }
0x36: {  	[dreg:$0x3] =	wrdreg s6  }
0x37: {  	[dreg:$0x4] =	wrdreg $0xC0  }
0x38: {  	_ =	task [dreg:s23], $0x5FFFF  }
0x39: {  	[dreg:$0x1] =	wrdreg $0xFFFFFFFF  }
0x3a: {  	[dreg:$0x0] =	wrdreg $0x60  }
0x3b: {  	[dreg:$0x2] =	wrdreg s25  }
0x3c: {  	[dreg:$0x3] =	wrdreg s18  }
0x3d: {  	[dreg:$0x4] =	wrdreg $0xA  }
0x3e: {  	_ =	task.clear_ibuf [dreg:s23], $0x5FFFF;
	_ =	strace $0x9000004C  }
0x3f: {  	s29 =	simm.s32 $0xA;
	_ =	strace $0x8000004E  }
0x40: {  	_ =	swait.ge [sflag:s29], $0x1  }
0x41: {  	[sflag:s29] =	ssyncadd.s32 $0xFFFFFFFF  }
0x42: {  	_ =	strace $0x9000004E  }
0x43: {  	_ =	sfence  }
0x44: {  	s30 =	sld [smem:$0x0];
	_ =	sdelay $0x2  }
0x45: {  	s31 =	sshll.u32 s1, $0xD;
	s1 =	sshrl.u32 s1, $0x2  }
0x46: {  	s4 =	sand.u32 $0x4000, s31;
	s1 =	sadd.s32 s1, s30  }
0x47: {  	s0 =	sor.u32 s4, s0;
	s1 =	sshll.u32 s1, $0x11  }
0x48: {  	s0 =	sor.u32 s1, s0  }
0x49: {  	s0 =	sadd.s32 $0x8F2B, s0  }
0x4a: {  	[sflag:s0] =	ssyncadd.remote.s32 $0x1  }
0x4b: {  	_ =	sfence.sel $0xFFFF  }
0x4c: {  	[dreg:$0x0] =	wrdreg $0xFFFFFFFF;
	(pc) =	sbr.abs _section_cstart, $3  }
0x4d: {  	[dreg:$0x1] =	wrdreg $0xFFFFFFFF  }
0x4e: {  	_ =	task.clear_ibuf [dreg:s23], $0x2FFFF;
	_ =	strace $0x9FFFFFFF  }
0x4f: {  	(tm) =	ssettm $0x7FFFFFFF  }
tec
execute0_lowered:
.L_overlay_start_1:
0x0: {  	(tag) =	ssettag $0x1  }
0x1: {  	s0 =	srdreg.scid  }
0x2: {  	s1 =	sshll.u32 s0, $0x4  }
0x3: {  	s0 =	stileid.u32;
	s1 =	sand.u32 $0x10, s1  }
0x4: {  	s1 =	sor.u32 s0, s1  }
0x5: {  	s6 =	rddreg [dreg:$0x0];
	s4 =	simm.s32 $0x1;
	s2 =	sshll.u32 s1, $0x7  }
0x6: {  	s7 =	simm.s32 $0x2;
	s12 =	simm.s32 $0x0;
	s1 =	ssub.s32 $0x1000, s2  }
0x7: {  	s8 =	simm.s32 $0x8000;
	s13 =	simm.s32 $0x0;
	s3 =	sand.u32 $0xF80, s1  }
0x8: {  	s9 =	simm.s32 $0x0;
	s5 =	sshrl.u32 s1, $0xC;
	p0 =	sne.s32 s3, $0x0  }
.Ltmp0:
0x9: {  	s1 =	rddreg [dreg:$0x2];
	s4 =	simm.s32 @!p0 $0x0;
	(pc) =	sbr.rel .LBB1_1-.Ltmp0, $4  }
0xa: {  	s11 =	simm.s32 $0x0;
	s3 =	rddreg [dreg:$0x1];
	s5 =	sadd.s32 s4, s5  }
0xb: {  	_ =	strace $0x8000004D;
	s4 =	simm.s32 $0x1;
	s5 =	smul.u32 $0x32, s5  }
0xc: {  	s6 =	sadd.s32 $0x382C00, s6;
	s10 =	smov.u32 s2;
	[sflag:s4] =	ssyncpa.u1 $0x0  }
0xd: {  	p0 =	por $0x0, $0x0;
	[sflag:s7] =	ssyncpa.u1 $0x0;
	s7 =	sor.u32 $0x1, s5  }
.LBB1_4:
0xe: {  	s16 =	sshll.u32 s13, $0x3;
	s17 =	sand.u32 $0x78, s13  }
0xf: {  	s30 =	sand.u32 $0x7E00, s13;
	s12 =	sshll.u32 s12, $0xF;
	s16 =	sand.u32 $0xC00, s16  }
0x10: {  	[tilespmem:s15+$0x810 ss:$0x81] =	vst.msk $0xffff, v2;
	s31 =	sand.u32 $0x7, s13;
	s16 =	sor.u32 s17, s16;
	s17 =	sadd.s32 s3, s30  }
0x11: {  	[tilespmem:s15+$0x1020 ss:$0x81] =	vst.msk $0xffff, v0;
	s13 =	sshll.u32 s31, $0x12;
	s12 =	sadd.s32 s12, s17;
	s16 =	sshrl.u32 s16, $0x3  }
0x12: {  	[tilespmem:s15+$0x0 ss:$0x81] =	vst.msk $0xffff, v1;
	s13 =	sor.u32 $0x400, s13;
	s12 =	sadd.s32 s16, s12  }
0x13: {  	[hbm4b:s12+s13] =	stream.strided.scatter [tilespmem:s14], [sflag:$0x2], $0x2000, s8, s13, $0x20;
	[tilespmem:$0x8080] =	vst v63  }
.LBB1_5:
0x14: {  	s14 =	sadd.s32 $0x1, s9  }
0x15: {  	s12 =	sadd.s32 $0x1000, s10;
	s16 =	smov.u32 s10;
	p2 =	sgt.s32 s14, $0x31  }
0x16: {  	s16 =	smov.u32 @p2 s12  }
0x17: {  	s14 =	simm.s32 @p2 $0x0;
	p2 =	sgt.s32 s16, $0xFFF  }
0x18: {  	s16 =	smov.u32 @p2 s2;
	p2 =	sne.s32 s11, s7  }
.Ltmp1:
0x19: {  	p1 =	slt.u32 s11, $0x2;
	(pc) =	sbr.rel @!p2 .LBB1_6-.Ltmp1, $4  }
0x1a: {  	s15 =	simm.s32 @!p1 $0x2  }
0x1b: {  	s13 =	smov.u32 s10;
	p0 =	por !p0, !p0;
	_ =	swait.ge @!p1 [sflag:s15], $0x2000  }
0x1c: {  	s12 =	smov.u32 s9;
	[sflag:s15] =	ssyncset.done @!p1 $0x0;
	s9 =	smov.u32 s14  }
0x1d: {  	s11 =	sadd.s32 $0x1, s11;
	[sflag:s15] =	ssyncadd.s32 @!p1 $0xFFFFE000;
	s10 =	smov.u32 s16  }
.LBB1_1:
0x1e: {  	p1 =	sge.u32 s11, s5  }
0x1f: {  	s14 =	sand.u32 @!p1 $0x1FFFFFF, s9  }
0x20: {  	s15 =	smulhi.u32 @!p1 $0x4924925, s14;
	_ =	sdelay $0x1  }
0x21: {  	s15 =	smul.u32 @!p1 $0x38, s15  }
0x22: {  	s16 =	sxor.u32 @!p1 $0xFFFFFFFF, s11;
	s17 =	smul.u32 @!p1 $0x380, s10  }
0x23: {  	s31 =	sadd.s32 $0xFFFFFFFF, s11;
	s16 =	sshll.u32 @!p1 s16, $0xD;
	s14 =	ssub.s32 @!p1 s14, s15  }
0x24: {  	s15 =	sand.u32 @!p1 $0x2000, s16;
	s16 =	sadd.s32 @!p1 s6, s17;
	s14 =	sshll.u32 @!p1 s14, $0x4  }
0x25: {  	s17 =	simm.s32 @!p1 $0x1C00;
	s14 =	sadd.s32 @!p1 s14, s16;
	s16 =	simm.s32 @!p1 $0x40  }
0x26: {  	[tilespmem:s15], [sflag:$0x1] =	stream.strided.gather @!p1 [hbm4b:s14+s16], $0x2000, s17, s16, $0x38;
	[tilespmem:$0x8080] =	vst v63  }
0x27: {  	p1 =	sge.u32 s31, s5  }
.Ltmp2:
0x28: {  	_ = 	snop;
	(pc) =	sbr.rel @p1 .LBB1_5-.Ltmp2, $1  }
0x29: {  	_ =	sdelay $0x3  }
0x2a: {  	s14 =	simm.s32 $0x1  }
0x2b: {  	_ =	swait.ge [sflag:s4], $0x2000;
	s14 =	simm.s32 @!p0 $0x0  }
0x2c: {  	[sflag:s4] =	ssyncset.done $0x0;
	s15 =	sshll.u32 s14, $0xD  }
0x2d: {  	[sflag:s4] =	ssyncadd.s32 $0xFFFFE000;
	s18 =	sor.u32 $0x20, s15  }
0x2e: {  	s14 =	smul.u32 $0x8100, s14;
	v3 =	vld [tilespmem:s18+$0x10]  }
0x2f: {  	s30 =	sand.u32 $0x1, s11;
	v2 =	vld [tilespmem:s18+$0xFFFFFFF0]  }
0x30: {  	s15 =	smul.u32 $0x8100, s30;
	s14 =	sshrl.u32 s14, $0x2;
	v0 =	vld [tilespmem:s18+$0x0]  }
0x31: {  	v1 =	vld [tilespmem:s18+$0xFFFFFFE0];
	s16 =	sor.u32 $0x4000, s14  }
0x32: {  	s31 =	sshrl.u32 s15, $0x2;
	s15 =	sadd.s32 $0x0, s16  }
0x33: {  	s17 =	simm.s32 $0x4;
	s18 =	sadd.s32 $0x40, s18;
	s14 =	sor.u32 $0x4000, s31;
	[tilespmem:s15+$0x1830 ss:$0x81] =	vst.msk $0xffff, v3  }
.LBB1_3:
0x34: {  	v3 =	vld [tilespmem:s18+$0x10];
	p1 =	sne.s32 s17, $0x1FC;
	[tilespmem:s15+$0x810 ss:$0x81] =	vst.msk $0xffff, v2;
	s19 =	smov.u32 s17;
	s17 =	sadd.s32 $0x4, s17  }
.Ltmp3:
0x35: {  	v2 =	vld [tilespmem:s18+$0xFFFFFFF0];
	[tilespmem:s15+$0x1020 ss:$0x81] =	vst.msk $0xffff, v0;
	(pc) =	sbr.rel @p1 .LBB1_3-.Ltmp3, $4  }
0x36: {  	v0 =	vld [tilespmem:s18+$0x0];
	[tilespmem:s15+$0x0 ss:$0x81] =	vst.msk $0xffff, v1  }
0x37: {  	s15 =	sshra.s32 s19, $0x2;
	v1 =	vld [tilespmem:s18+$0xFFFFFFE0]  }
0x38: {  	s15 =	sadd.s32 s15, s16  }
0x39: {  	s18 =	sadd.s32 $0x40, s18;
	[tilespmem:s15+$0x1830 ss:$0x81] =	vst.msk $0xffff, v3  }
.Ltmp4:
0x3a: {  	_ = 	snop;
	(pc) =	sbr.rel .LBB1_4-.Ltmp4, $1  }
0x3b: {  	_ =	sdelay $0x3  }
.LBB1_6:
0x3c: {  	_ =	sfence.sel $0x180000  }
0x3d: {  	s2 =	simm.s32 $0x1;
	[bflag:$0x0] =	sbarrier.arrive $0xFFFF  }
0x3e: {  	s31 =	simm.s32 $0x2;
	[sflag:s2] =	ssyncpa.u1 $0x1  }
0x3f: {  	[sflag:s31] =	ssyncpa.u1 $0x1  }
0x40: {  	p0 =	sne.s32 s0, $0x0;
	_ =	strace $0x9000004D  }
0x41: {  	s0 =	sadd.s32 @!p0 $0x100000, s1;
	[bflag:$0x2] =	sbarrier.arrive $0xFFFF  }
0x42: {  	[sflag:s0] =	ssyncadd.tile.s32 @!p0 $0x1;
	_ =	shalt  }
.Lfunc_end1:
_tile_overlayer_lowered:
.L_overlay_start_2:
0x43: {  	(tag) =	ssettag $0x2  }
0x44: {  	s0 =	rddreg [dreg:$0x0];
	s2 =	stileid.u32  }
0x45: {  	s1 =	rddreg [dreg:$0x1];
	p0 =	sne.s32 s2, $0x0  }
0x46: {  	s3 =	rddreg [dreg:$0x2];
	[bflag:$0x3] =	sbarrier.arrive $0xFFFF;
	s2 =	simm.s32 @!p0 $0x1C01  }
0x47: {  	[timem:s3], [sflag:s2] =	dma.local @!p0 [hbm:s0], s1  }
0x48: {  	s0 =	simm.s32 @!p0 $0x1  }
0x49: {  	_ =	swait.ge @!p0 [sflag:s0], s1  }
0x4a: {  	s1 =	ssub.s32 @!p0 $0x0, s1;
	[sflag:s0] =	ssyncset.done @!p0 $0x0  }
0x4b: {  	[sflag:s0] =	ssyncadd.s32 @!p0 s1  }
0x4c: {  	[bflag:$0x3] =	sbarrier.arrive $0xFFFF  }
0x4d: {  	_ =	shalt  }

// kernel: sparse-core-data-format-call.cloned.1.call-start
scs
called_computation_lowered:
.L_overlay_start_0:
0x0: {  	s2 =	sld [smem:$0x3FD9]  }
0x1: {  	s3 =	sld [smem:$0x3FFE];
	_ =	sdelay $0x1  }
0x2: {  	s1 =	srdreg.scid  }
0x3: {  	s0 =	sand.u32 $0x1, s1  }
0x4: {  	s15 =	sshll.u32 s0, $0xA;
	s2 =	sadd.s32 s3, s2  }
0x5: {  	s2 =	sadd.s32 s2, s15  }
0x6: {  	[smem:$0x3FC4] =	sst s2  }
0x7: {  	_ = 	snop  }
0x8: {  	s2 =	sld [smem:$0x3FD0];
	_ =	sdelay $0x2  }
0x9: {  	s16 =	simm.s32 $0xB;
	s4 =	simm.s32 $0x10  }
0xa: {  	[smem:s4], [sflag:s16] =	dma.local [hbm:s2], $0x1  }
0xb: {  	_ =	swait.eq [sflag:s16], $0x1  }
0xc: {  	[sflag:s16] =	ssyncset.done $0x0  }
0xd: {  	[sflag:s16] =	ssyncadd.s32 $0xFFFFFFFF  }
0xe: {  	s17 =	sld [smem:$0x11];
	(tm) =	ssettm $0x1  }
0xf: {  	s18 =	sld [smem:$0x3FFB];
	_ =	sdelay $0x3  }
0x10: {  	_ =	strace s18  }
0x11: {  	s3 =	sld [smem:$0x3FFC];
	_ =	sdelay $0x3  }
0x12: {  	_ =	strace s3  }
0x13: {  	s3 =	sld [smem:$0x3FFD];
	_ =	sdelay $0x3  }
0x14: {  	_ =	strace s3  }
0x15: {  	_ =	strace $0x8FFFFFFF  }
0x16: {  	s19 =	sld [smem:$0x3FDB];
	_ =	sdelay $0x1  }
0x17: {  	s20 =	simm.s32 $_scs_section_size  }
0x18: {  	s5 =	simm.s32 $_size__tile_overlayer_lowered;
	s6 =	simm.s32 $_tile_overlayer_lowered  }
0x19: {  	s23 =	simm.s32 $0x1BFF;
	s22 =	sshll.u32 s6, $0x1;
	s3 =	sadd.s32 s20, s19  }
0x1a: {  	s7 =	simm.s32 $0x0;
	s21 =	sshll.u32 s5, $0x1;
	s5 =	sadd.s32 s22, s3  }
0x1b: {  	[timem:s7], [sflag:s23] =	dma.local [hbm:s5], s21  }
0x1c: {  	_ =	swait.ge [sflag:s23], s21  }
0x1d: {  	s4 =	ssub.s32 $0x0, s21;
	[sflag:s23] =	ssyncset.done $0x0  }
0x1e: {  	[sflag:s23] =	ssyncadd.s32 s4;
	_ =	sdelay $0x1  }
0x1f: {  	s24 =	simm.s32 $0x1B8B  }
0x20: {  	_ =	swait.ge [sflag:s24], $0x1  }
0x21: {  	[sflag:s24] =	ssyncset.done $0x0  }
0x22: {  	s26 =	simm.s32 $0x1B8E;
	s25 =	sld [smem:$0x3FFE];
	[sflag:s24] =	ssyncadd.s32 $0xFFFFFFFF  }
0x23: {  	s27 =	simm.s32 $execute0_lowered;
	[smem:$0x3FD2] =	sst s26  }
0x24: {  	s5 =	sshll.u32 s27, $0x1;
	_ =	strace $0x80000049;
	[dreg:$0x1] =	wrdreg $0xFFFFFFFF  }
0x25: {  	s28 =	simm.s32 $_size_execute0_lowered;
	s3 =	sadd.s32 s3, s5;
	[dreg:$0x0] =	wrdreg $0x0  }
0x26: {  	s5 =	sshll.u32 s28, $0x1;
	[dreg:$0x2] =	wrdreg s3  }
0x27: {  	[dreg:$0x3] =	wrdreg s5  }
0x28: {  	[dreg:$0x4] =	wrdreg $0xC0  }
0x29: {  	_ =	task [dreg:s7], $0x5FFFF  }
0x2a: {  	[dreg:$0x1] =	wrdreg $0xFFFFFFFF  }
0x2b: {  	[dreg:$0x0] =	wrdreg $0x60  }
0x2c: {  	[dreg:$0x2] =	wrdreg s25  }
0x2d: {  	[dreg:$0x3] =	wrdreg s17  }
0x2e: {  	[dreg:$0x4] =	wrdreg $0x9  }
0x2f: {  	_ =	task.clear_ibuf [dreg:s7], $0x5FFFF;
	_ =	strace $0x90000049  }
0x30: {  	s29 =	simm.s32 $0x9;
	_ =	strace $0x8000004B  }
0x31: {  	_ =	swait.ge [sflag:s29], $0x1  }
0x32: {  	[sflag:s29] =	ssyncadd.s32 $0xFFFFFFFF  }
0x33: {  	_ =	strace $0x9000004B  }
0x34: {  	_ =	sfence  }
0x35: {  	s30 =	sld [smem:$0x0];
	_ =	sdelay $0x2  }
0x36: {  	s31 =	sshll.u32 s1, $0xD;
	s1 =	sshrl.u32 s1, $0x2  }
0x37: {  	s3 =	sand.u32 $0x4000, s31;
	s1 =	sadd.s32 s1, s30  }
0x38: {  	s0 =	sor.u32 s3, s0;
	s1 =	sshll.u32 s1, $0x11  }
0x39: {  	s0 =	sor.u32 s1, s0  }
0x3a: {  	s0 =	sadd.s32 $0x8F2B, s0  }
0x3b: {  	[sflag:s0] =	ssyncadd.remote.s32 $0x1  }
0x3c: {  	_ =	sfence.sel $0xFFFF  }
0x3d: {  	[dreg:$0x0] =	wrdreg $0xFFFFFFFF;
	(pc) =	sbr.abs _section_cstart, $3  }
0x3e: {  	[dreg:$0x1] =	wrdreg $0xFFFFFFFF  }
0x3f: {  	_ =	task.clear_ibuf [dreg:s7], $0x2FFFF;
	_ =	strace $0x9FFFFFFF  }
0x40: {  	(tm) =	ssettm $0x7FFFFFFF  }
0x41: {  	_ =	shalt  }
tec
execute0_lowered:
.L_overlay_start_1:
0x0: {  	(tag) =	ssettag $0x1  }
0x1: {  	s0 =	srdreg.scid  }
0x2: {  	s1 =	sshll.u32 s0, $0x4  }
0x3: {  	s0 =	stileid.u32;
	s1 =	sand.u32 $0x10, s1  }
0x4: {  	s1 =	sor.u32 s0, s1  }
0x5: {  	s6 =	rddreg [dreg:$0x0];
	s4 =	simm.s32 $0x1;
	s2 =	sshll.u32 s1, $0x7  }
0x6: {  	s7 =	simm.s32 $0x2;
	s12 =	simm.s32 $0x0;
	s1 =	ssub.s32 $0x1000, s2  }
0x7: {  	s8 =	simm.s32 $0x8000;
	s13 =	simm.s32 $0x0;
	s3 =	sand.u32 $0xF80, s1  }
0x8: {  	s9 =	simm.s32 $0x0;
	s5 =	sshrl.u32 s1, $0xC;
	p0 =	sne.s32 s3, $0x0  }
.Ltmp0:
0x9: {  	s1 =	rddreg [dreg:$0x2];
	s4 =	simm.s32 @!p0 $0x0;
	(pc) =	sbr.rel .LBB1_1-.Ltmp0, $4  }
0xa: {  	s11 =	simm.s32 $0x0;
	s3 =	rddreg [dreg:$0x1];
	s5 =	sadd.s32 s4, s5  }
0xb: {  	_ =	strace $0x8000004A;
	s4 =	simm.s32 $0x1;
	s5 =	smul.u32 $0x32, s5  }
0xc: {  	s6 =	sadd.s32 $0x2C00, s6;
	s10 =	smov.u32 s2;
	[sflag:s4] =	ssyncpa.u1 $0x0  }
0xd: {  	p0 =	por $0x0, $0x0;
	[sflag:s7] =	ssyncpa.u1 $0x0;
	s7 =	sor.u32 $0x1, s5  }
.LBB1_4:
0xe: {  	s16 =	sshll.u32 s13, $0x3;
	s17 =	sand.u32 $0x78, s13  }
0xf: {  	s30 =	sand.u32 $0x7E00, s13;
	s12 =	sshll.u32 s12, $0xF;
	s16 =	sand.u32 $0xC00, s16  }
0x10: {  	[tilespmem:s15+$0x810 ss:$0x81] =	vst.msk $0xffff, v2;
	s31 =	sand.u32 $0x7, s13;
	s16 =	sor.u32 s17, s16;
	s17 =	sadd.s32 s3, s30  }
0x11: {  	[tilespmem:s15+$0x1020 ss:$0x81] =	vst.msk $0xffff, v0;
	s13 =	sshll.u32 s31, $0x12;
	s12 =	sadd.s32 s12, s17;
	s16 =	sshrl.u32 s16, $0x3  }
0x12: {  	[tilespmem:s15+$0x0 ss:$0x81] =	vst.msk $0xffff, v1;
	s13 =	sor.u32 $0x400, s13;
	s12 =	sadd.s32 s16, s12  }
0x13: {  	[hbm4b:s12+s13] =	stream.strided.scatter [tilespmem:s14], [sflag:$0x2], $0x2000, s8, s13, $0x20;
	[tilespmem:$0x8080] =	vst v63  }
.LBB1_5:
0x14: {  	s14 =	sadd.s32 $0x1, s9  }
0x15: {  	s12 =	sadd.s32 $0x1000, s10;
	s16 =	smov.u32 s10;
	p2 =	sgt.s32 s14, $0x31  }
0x16: {  	s16 =	smov.u32 @p2 s12  }
0x17: {  	s14 =	simm.s32 @p2 $0x0;
	p2 =	sgt.s32 s16, $0xFFF  }
0x18: {  	s16 =	smov.u32 @p2 s2;
	p2 =	sne.s32 s11, s7  }
.Ltmp1:
0x19: {  	p1 =	slt.u32 s11, $0x2;
	(pc) =	sbr.rel @!p2 .LBB1_6-.Ltmp1, $4  }
0x1a: {  	s15 =	simm.s32 @!p1 $0x2  }
0x1b: {  	s13 =	smov.u32 s10;
	p0 =	por !p0, !p0;
	_ =	swait.ge @!p1 [sflag:s15], $0x2000  }
0x1c: {  	s12 =	smov.u32 s9;
	[sflag:s15] =	ssyncset.done @!p1 $0x0;
	s9 =	smov.u32 s14  }
0x1d: {  	s11 =	sadd.s32 $0x1, s11;
	[sflag:s15] =	ssyncadd.s32 @!p1 $0xFFFFE000;
	s10 =	smov.u32 s16  }
.LBB1_1:
0x1e: {  	p1 =	sge.u32 s11, s5  }
0x1f: {  	s14 =	sand.u32 @!p1 $0x1FFFFFF, s9  }
0x20: {  	s15 =	smulhi.u32 @!p1 $0x4924925, s14;
	_ =	sdelay $0x1  }
0x21: {  	s15 =	smul.u32 @!p1 $0x38, s15  }
0x22: {  	s16 =	sxor.u32 @!p1 $0xFFFFFFFF, s11;
	s17 =	smul.u32 @!p1 $0x380, s10  }
0x23: {  	s31 =	sadd.s32 $0xFFFFFFFF, s11;
	s16 =	sshll.u32 @!p1 s16, $0xD;
	s14 =	ssub.s32 @!p1 s14, s15  }
0x24: {  	s15 =	sand.u32 @!p1 $0x2000, s16;
	s16 =	sadd.s32 @!p1 s6, s17;
	s14 =	sshll.u32 @!p1 s14, $0x4  }
0x25: {  	s17 =	simm.s32 @!p1 $0x1C00;
	s14 =	sadd.s32 @!p1 s14, s16;
	s16 =	simm.s32 @!p1 $0x40  }
0x26: {  	[tilespmem:s15], [sflag:$0x1] =	stream.strided.gather @!p1 [hbm4b:s14+s16], $0x2000, s17, s16, $0x38;
	[tilespmem:$0x8080] =	vst v63  }
0x27: {  	p1 =	sge.u32 s31, s5  }
.Ltmp2:
0x28: {  	_ = 	snop;
	(pc) =	sbr.rel @p1 .LBB1_5-.Ltmp2, $1  }
0x29: {  	_ =	sdelay $0x3  }
0x2a: {  	s14 =	simm.s32 $0x1  }
0x2b: {  	_ =	swait.ge [sflag:s4], $0x2000;
	s14 =	simm.s32 @!p0 $0x0  }
0x2c: {  	[sflag:s4] =	ssyncset.done $0x0;
	s15 =	sshll.u32 s14, $0xD  }
0x2d: {  	[sflag:s4] =	ssyncadd.s32 $0xFFFFE000;
	s18 =	sor.u32 $0x20, s15  }
0x2e: {  	s14 =	smul.u32 $0x8100, s14;
	v3 =	vld [tilespmem:s18+$0x10]  }
0x2f: {  	s30 =	sand.u32 $0x1, s11;
	v2 =	vld [tilespmem:s18+$0xFFFFFFF0]  }
0x30: {  	s15 =	smul.u32 $0x8100, s30;
	s14 =	sshrl.u32 s14, $0x2;
	v0 =	vld [tilespmem:s18+$0x0]  }
0x31: {  	v1 =	vld [tilespmem:s18+$0xFFFFFFE0];
	s16 =	sor.u32 $0x4000, s14  }
0x32: {  	s31 =	sshrl.u32 s15, $0x2;
	s15 =	sadd.s32 $0x0, s16  }
0x33: {  	s17 =	simm.s32 $0x4;
	s18 =	sadd.s32 $0x40, s18;
	s14 =	sor.u32 $0x4000, s31;
	[tilespmem:s15+$0x1830 ss:$0x81] =	vst.msk $0xffff, v3  }
.LBB1_3:
0x34: {  	v3 =	vld [tilespmem:s18+$0x10];
	p1 =	sne.s32 s17, $0x1FC;
	[tilespmem:s15+$0x810 ss:$0x81] =	vst.msk $0xffff, v2;
	s19 =	smov.u32 s17;
	s17 =	sadd.s32 $0x4, s17  }
.Ltmp3:
0x35: {  	v2 =	vld [tilespmem:s18+$0xFFFFFFF0];
	[tilespmem:s15+$0x1020 ss:$0x81] =	vst.msk $0xffff, v0;
	(pc) =	sbr.rel @p1 .LBB1_3-.Ltmp3, $4  }
0x36: {  	v0 =	vld [tilespmem:s18+$0x0];
	[tilespmem:s15+$0x0 ss:$0x81] =	vst.msk $0xffff, v1  }
0x37: {  	s15 =	sshra.s32 s19, $0x2;
	v1 =	vld [tilespmem:s18+$0xFFFFFFE0]  }
0x38: {  	s15 =	sadd.s32 s15, s16  }
0x39: {  	s18 =	sadd.s32 $0x40, s18;
	[tilespmem:s15+$0x1830 ss:$0x81] =	vst.msk $0xffff, v3  }
.Ltmp4:
0x3a: {  	_ = 	snop;
	(pc) =	sbr.rel .LBB1_4-.Ltmp4, $1  }
0x3b: {  	_ =	sdelay $0x3  }
.LBB1_6:
0x3c: {  	_ =	sfence.sel $0x180000  }
0x3d: {  	s2 =	simm.s32 $0x1;
	[bflag:$0x0] =	sbarrier.arrive $0xFFFF  }
0x3e: {  	s31 =	simm.s32 $0x2;
	[sflag:s2] =	ssyncpa.u1 $0x1  }
0x3f: {  	[sflag:s31] =	ssyncpa.u1 $0x1  }
0x40: {  	p0 =	sne.s32 s0, $0x0;
	_ =	strace $0x9000004A  }
0x41: {  	s0 =	sadd.s32 @!p0 $0x100000, s1;
	[bflag:$0x2] =	sbarrier.arrive $0xFFFF  }
0x42: {  	[sflag:s0] =	ssyncadd.tile.s32 @!p0 $0x1;
	_ =	shalt  }
.Lfunc_end1:
_tile_overlayer_lowered:
.L_overlay_start_2:
0x43: {  	(tag) =	ssettag $0x2  }
0x44: {  	s0 =	rddreg [dreg:$0x0];
	s2 =	stileid.u32  }
0x45: {  	s1 =	rddreg [dreg:$0x1];
	p0 =	sne.s32 s2, $0x0  }
0x46: {  	s3 =	rddreg [dreg:$0x2];
	[bflag:$0x3] =	sbarrier.arrive $0xFFFF;
	s2 =	simm.s32 @!p0 $0x1C01  }
0x47: {  	[timem:s3], [sflag:s2] =	dma.local @!p0 [hbm:s0], s1  }
0x48: {  	s0 =	simm.s32 @!p0 $0x1  }
0x49: {  	_ =	swait.ge @!p0 [sflag:s0], s1  }
0x4a: {  	s1 =	ssub.s32 @!p0 $0x0, s1;
	[sflag:s0] =	ssyncset.done @!p0 $0x0  }
0x4b: {  	[sflag:s0] =	ssyncadd.s32 @!p0 s1  }
0x4c: {  	[bflag:$0x3] =	sbarrier.arrive $0xFFFF  }
0x4d: {  	_ =	shalt  }

</sc_bundles>
